<compile_context>
chip_gen: v7x
topology: tpu7x:2x2x1
jax: 0.10.2.dev20260603
libtpu: 0.0.44.dev20260713+nightly
codegen_flags: <defaults>
</compile_context>

<pallas_src>
import functools

import jax
import jax.numpy as jnp
from jax import lax
from jax.experimental import pallas as pl
from jax.experimental.pallas import tpu as pltpu
from jax.experimental.pallas import tpu_sc as plsc

D = 32
RPI = 4
NBUF = 4
K = 2


@jax.jit
def _gather_sc(idx, weight):
    NB, F = idx.shape
    FP, DP = 104, 128
    info = plsc.get_sparse_core_info()
    NC, NS = info.num_cores, info.num_subcores
    NW = NC * NS
    rows_per_w = NB // NW
    items_per_w = rows_per_w // RPI
    assert items_per_w % NBUF == 0 and NBUF > K

    mesh = plsc.VectorSubcoreMesh(core_axis_name="c", subcore_axis_name="s")

    @functools.partial(
        pl.kernel,
        mesh=mesh,
        compiler_params=pltpu.CompilerParams(use_tc_tiling_on_sc=False),
        out_type=jax.ShapeDtypeStruct((NB, FP, DP), jnp.float32),
        scratch_types=[
            pltpu.VMEM((rows_per_w, F), jnp.int32),
            pltpu.VMEM((NBUF, RPI, F, D), jnp.float32),
            pltpu.SemaphoreType.DMA((NBUF,)),
            pltpu.SemaphoreType.DMA((NBUF,)),
        ],
    )
    def k(idx_hbm, table_hbm, out_hbm, idx_v, rows_v, gsem, ssem):
        wid = lax.axis_index("s") * NC + lax.axis_index("c")
        i0 = wid * rows_per_w

        pltpu.sync_copy(idx_hbm.at[pl.ds(i0, rows_per_w)], idx_v)

        def start_gathers(t, b):
            for q in range(RPI):
                pltpu.async_copy(
                    table_hbm.at[idx_v.at[t * RPI + q]],
                    rows_v.at[b, q],
                    gsem.at[b],
                )

        def drain_gathers(t, b):
            for q in range(RPI):
                pltpu.make_async_copy(
                    table_hbm.at[idx_v.at[t * RPI + q]],
                    rows_v.at[b, q],
                    gsem.at[b],
                ).wait()

        def start_scatter(t, b):
            pltpu.async_copy(
                rows_v.at[b],
                out_hbm.at[pl.ds(i0 + t * RPI, RPI), pl.ds(0, F), pl.ds(0, D)],
                ssem.at[b],
            )

        def drain_scatter(b):
            pltpu.make_async_copy(
                rows_v.at[b],
                out_hbm.at[pl.ds(0, RPI), pl.ds(0, F), pl.ds(0, D)],
                ssem.at[b],
            ).wait()

        for b in range(K):
            start_gathers(b, b)

        @pl.loop(0, items_per_w, step=NBUF)
        def _(t0):
            for b in range(NBUF):
                t = t0 + b
                tn = t + K
                bn = (b + K) % NBUF

                @pl.when(tn < items_per_w)
                def _():
                    @pl.when(tn >= NBUF)
                    def _():
                        drain_scatter(bn)

                    start_gathers(tn, bn)

                drain_gathers(t, b)
                start_scatter(t, b)

        for b in range(NBUF):
            drain_scatter(b)

    return k(idx, weight)


def kernel(input, weight):
    NB, F = input.shape
    return _gather_sc(input, weight)[:, :F, :D]

# --- scband reference (transcript-rebuilt; emitter-appended) ---
"""Pipeline reference for scband-paged-embedding-57483842290082 (READ-ONLY COPY).

The authoritative reference and input builder live on the scoring server;
editing this copy changes nothing except your own understanding.
"""

import jax, jax.numpy as jnp
import numpy as np

NUM_EMBEDDINGS = 1000000
EMBEDDING_DIM = 32
BATCH = 4096
FIELDS = 100


def setup_inputs(seed: int = 0) -> dict:
    key = jax.random.key(seed)
    k1, k2 = jax.random.split(key)
    indices = jax.random.randint(k1, (BATCH, FIELDS), 0, NUM_EMBEDDINGS, dtype=jnp.int32)
    weight = jax.random.normal(k2, (NUM_EMBEDDINGS, EMBEDDING_DIM), dtype=jnp.float32) * 0.02
    return {"input": indices, "weight": weight}


def reference(input, weight):
    # Faithful translation of PagedEmbedding.forward:
    # 1) uniq, inverse = torch.unique(input, sorted=True, return_inverse=True)
    # 2) rows = gather unique rows from the paged weight table
    # 3) out = F.embedding(inverse.view(input.shape), rows)
    flat = input.reshape(-1)
    n = flat.shape[0]
    uniq, inverse = jnp.unique(flat, size=n, fill_value=0, return_inverse=True)
    rows = jnp.take(weight, uniq, axis=0)  # emulates pager row reads for unique ids
    inv = inverse.reshape(input.shape)
    out = jnp.take(rows, inv, axis=0)
    return out

if __name__ == "__main__":
    import jax
    _d = setup_inputs()
    print(jax.jit(kernel)(*tuple(_d.values())))

</pallas_src>

<mosaic_0001>
#map = affine_map<(d0, d1) -> (0, 0)>
#map1 = affine_map<(d0, d1) -> (0, 0, 0)>
module attributes {stable_mosaic.version = 14 : i64} {
  func.func @k(%arg0: i32, %arg1: i32, %arg2: memref<4096x100xi32, #tpu.memory_space<hbm>>, %arg3: memref<1000000x32xf32, #tpu.memory_space<hbm>>, %arg4: memref<4096x104x128xf32, #tpu.memory_space<hbm>>, %arg5: memref<128x100xi32, #tpu.memory_space<vmem>>, %arg6: memref<4x4x100x32xf32, #tpu.memory_space<vmem>>, %arg7: memref<4x!tpu.dma_semaphore, #tpu.memory_space<semaphore_mem>>, %arg8: memref<4x!tpu.dma_semaphore, #tpu.memory_space<semaphore_mem>>) attributes {dimension_semantics = [#tpu.dimension_semantics<core_parallel>, #tpu.dimension_semantics<subcore_parallel>], iteration_bounds = array<i64: 2, 16>, scalar_prefetch = 0 : i64, scratch_operands = 4 : i64, tpu.core_type = #tpu.core_type<sc_vector_subcore>, window_params = [{transform_indices = #map}, {transform_indices = #map}, {transform_indices = #map1}]} {
    %mul3A = arith.constant 2 : i32
    %mul3A_0 = arith.muli %arg1, %mul3A : i32
    %add3A = arith.addi %mul3A_0, %arg0 : i32
    %mul3A_1 = arith.constant 128 : i32
    %mul3A_2 = arith.muli %add3A, %mul3A_1 : i32
    "tpu.region"() ({
      %run_scoped3A = tpu.sem_alloc : memref<!tpu.dma_semaphore, #tpu.memory_space<semaphore_mem>>
      %dma_start3A_221 = arith.constant 0 : i32
      %dma_start3A_222 = tpu.memref_slice %arg2[%mul3A_2, %dma_start3A_221] : memref<4096x100xi32, #tpu.memory_space<hbm>> -> memref<128x100xi32, #tpu.memory_space<hbm>>
      %dma_start3A_223 = arith.constant 0 : i32
      %dma_start3A_224 = tpu.memref_slice %arg2[%mul3A_2, %dma_start3A_223] : memref<4096x100xi32, #tpu.memory_space<hbm>> -> memref<128x100xi32, #tpu.memory_space<hbm>>
      tpu.enqueue_dma source(%dma_start3A_224 : memref<128x100xi32, #tpu.memory_space<hbm>>) target(%arg5 : memref<128x100xi32, #tpu.memory_space<vmem>>) target_semaphore(%run_scoped3A : memref<!tpu.dma_semaphore, #tpu.memory_space<semaphore_mem>>)
      %dma_wait3A_225 = arith.constant 0 : i32
      %dma_wait3A_226 = tpu.memref_slice %arg2[%mul3A_2, %dma_wait3A_225] : memref<4096x100xi32, #tpu.memory_space<hbm>> -> memref<128x100xi32, #tpu.memory_space<hbm>>
      %dma_wait3A_227 = arith.constant 0 : i32
      %dma_wait3A_228 = tpu.memref_slice %arg2[%mul3A_2, %dma_wait3A_227] : memref<4096x100xi32, #tpu.memory_space<hbm>> -> memref<128x100xi32, #tpu.memory_space<hbm>>
      tpu.wait_dma2 semaphore(%run_scoped3A : memref<!tpu.dma_semaphore, #tpu.memory_space<semaphore_mem>>) src(%dma_wait3A_228 : memref<128x100xi32, #tpu.memory_space<hbm>>) dst(%arg5 : memref<128x100xi32, #tpu.memory_space<vmem>>)
      tpu.yield
    }) : () -> ()
    %dma_start3A = arith.constant 0 : i32
    %dma_start3A_3 = arith.constant 0 : i32
    %dma_start3A_4 = arith.constant 0 : i32
    %dma_start3A_5 = arith.constant 0 : i32
    %dma_start3A_6 = arith.constant 0 : i32
    %dma_start3A_7 = arith.constant 0 : i32
    %dma_start3A_8 = tpu.memref_slice %arg6[%dma_start3A_3, %dma_start3A_4, %dma_start3A_6, %dma_start3A_7] : memref<4x4x100x32xf32, #tpu.memory_space<vmem>> -> memref<1x1x100x32xf32, #tpu.memory_space<vmem>>
    %dma_start3A_9 = tpu.memref_squeeze %dma_start3A_8 : memref<1x1x100x32xf32, #tpu.memory_space<vmem>> -> memref<100x32xf32, #tpu.memory_space<vmem>>
    %dma_start3A_10 = arith.constant 0 : i32
    %dma_start3A_11 = tpu.memref_slice %arg5[%dma_start3A, %dma_start3A_10] : memref<128x100xi32, #tpu.memory_space<vmem>> -> memref<1x100xi32, #tpu.memory_space<vmem>>
    %dma_start3A_12 = tpu.memref_squeeze %dma_start3A_11 : memref<1x100xi32, #tpu.memory_space<vmem>> -> memref<100xi32, #tpu.memory_space<vmem>>
    %dma_start3A_13 = arith.constant 0 : i32
    %dma_start3A_14 = arith.constant 0 : i32
    %dma_start3A_15 = tpu.memref_slice %arg3[%dma_start3A_13, %dma_start3A_14] : memref<1000000x32xf32, #tpu.memory_space<hbm>> -> memref<1000000x32xf32, #tpu.memory_space<hbm>>
    %dma_start3A_16 = tpu.memref_slice %arg7[%dma_start3A_5] : memref<4x!tpu.dma_semaphore, #tpu.memory_space<semaphore_mem>> -> memref<1x!tpu.dma_semaphore, #tpu.memory_space<semaphore_mem>>
    %dma_start3A_17 = tpu.memref_squeeze %dma_start3A_16 : memref<1x!tpu.dma_semaphore, #tpu.memory_space<semaphore_mem>> -> memref<!tpu.dma_semaphore, #tpu.memory_space<semaphore_mem>>
    tpu.enqueue_indirect_dma source(%dma_start3A_15 : memref<1000000x32xf32, #tpu.memory_space<hbm>>) target(%dma_start3A_9 : memref<100x32xf32, #tpu.memory_space<vmem>>) offsets(%dma_start3A_12 : memref<100xi32, #tpu.memory_space<vmem>>) semaphore(%dma_start3A_17 : memref<!tpu.dma_semaphore, #tpu.memory_space<semaphore_mem>>)
    %dma_start3A_18 = arith.constant 1 : i32
    %dma_start3A_19 = arith.constant 0 : i32
    %dma_start3A_20 = arith.constant 1 : i32
    %dma_start3A_21 = arith.constant 0 : i32
    %dma_start3A_22 = arith.constant 0 : i32
    %dma_start3A_23 = arith.constant 0 : i32
    %dma_start3A_24 = tpu.memref_slice %arg6[%dma_start3A_19, %dma_start3A_20, %dma_start3A_22, %dma_start3A_23] : memref<4x4x100x32xf32, #tpu.memory_space<vmem>> -> memref<1x1x100x32xf32, #tpu.memory_space<vmem>>
    %dma_start3A_25 = tpu.memref_squeeze %dma_start3A_24 : memref<1x1x100x32xf32, #tpu.memory_space<vmem>> -> memref<100x32xf32, #tpu.memory_space<vmem>>
    %dma_start3A_26 = arith.constant 0 : i32
    %dma_start3A_27 = tpu.memref_slice %arg5[%dma_start3A_18, %dma_start3A_26] : memref<128x100xi32, #tpu.memory_space<vmem>> -> memref<1x100xi32, #tpu.memory_space<vmem>>
    %dma_start3A_28 = tpu.memref_squeeze %dma_start3A_27 : memref<1x100xi32, #tpu.memory_space<vmem>> -> memref<100xi32, #tpu.memory_space<vmem>>
    %dma_start3A_29 = arith.constant 0 : i32
    %dma_start3A_30 = arith.constant 0 : i32
    %dma_start3A_31 = tpu.memref_slice %arg3[%dma_start3A_29, %dma_start3A_30] : memref<1000000x32xf32, #tpu.memory_space<hbm>> -> memref<1000000x32xf32, #tpu.memory_space<hbm>>
    %dma_start3A_32 = tpu.memref_slice %arg7[%dma_start3A_21] : memref<4x!tpu.dma_semaphore, #tpu.memory_space<semaphore_mem>> -> memref<1x!tpu.dma_semaphore, #tpu.memory_space<semaphore_mem>>
    %dma_start3A_33 = tpu.memref_squeeze %dma_start3A_32 : memref<1x!tpu.dma_semaphore, #tpu.memory_space<semaphore_mem>> -> memref<!tpu.dma_semaphore, #tpu.memory_space<semaphore_mem>>
    tpu.enqueue_indirect_dma source(%dma_start3A_31 : memref<1000000x32xf32, #tpu.memory_space<hbm>>) target(%dma_start3A_25 : memref<100x32xf32, #tpu.memory_space<vmem>>) offsets(%dma_start3A_28 : memref<100xi32, #tpu.memory_space<vmem>>) semaphore(%dma_start3A_33 : memref<!tpu.dma_semaphore, #tpu.memory_space<semaphore_mem>>)
    %dma_start3A_34 = arith.constant 2 : i32
    %dma_start3A_35 = arith.constant 0 : i32
    %dma_start3A_36 = arith.constant 2 : i32
    %dma_start3A_37 = arith.constant 0 : i32
    %dma_start3A_38 = arith.constant 0 : i32
    %dma_start3A_39 = arith.constant 0 : i32
    %dma_start3A_40 = tpu.memref_slice %arg6[%dma_start3A_35, %dma_start3A_36, %dma_start3A_38, %dma_start3A_39] : memref<4x4x100x32xf32, #tpu.memory_space<vmem>> -> memref<1x1x100x32xf32, #tpu.memory_space<vmem>>
    %dma_start3A_41 = tpu.memref_squeeze %dma_start3A_40 : memref<1x1x100x32xf32, #tpu.memory_space<vmem>> -> memref<100x32xf32, #tpu.memory_space<vmem>>
    %dma_start3A_42 = arith.constant 0 : i32
    %dma_start3A_43 = tpu.memref_slice %arg5[%dma_start3A_34, %dma_start3A_42] : memref<128x100xi32, #tpu.memory_space<vmem>> -> memref<1x100xi32, #tpu.memory_space<vmem>>
    %dma_start3A_44 = tpu.memref_squeeze %dma_start3A_43 : memref<1x100xi32, #tpu.memory_space<vmem>> -> memref<100xi32, #tpu.memory_space<vmem>>
    %dma_start3A_45 = arith.constant 0 : i32
    %dma_start3A_46 = arith.constant 0 : i32
    %dma_start3A_47 = tpu.memref_slice %arg3[%dma_start3A_45, %dma_start3A_46] : memref<1000000x32xf32, #tpu.memory_space<hbm>> -> memref<1000000x32xf32, #tpu.memory_space<hbm>>
    %dma_start3A_48 = tpu.memref_slice %arg7[%dma_start3A_37] : memref<4x!tpu.dma_semaphore, #tpu.memory_space<semaphore_mem>> -> memref<1x!tpu.dma_semaphore, #tpu.memory_space<semaphore_mem>>
    %dma_start3A_49 = tpu.memref_squeeze %dma_start3A_48 : memref<1x!tpu.dma_semaphore, #tpu.memory_space<semaphore_mem>> -> memref<!tpu.dma_semaphore, #tpu.memory_space<semaphore_mem>>
    tpu.enqueue_indirect_dma source(%dma_start3A_47 : memref<1000000x32xf32, #tpu.memory_space<hbm>>) target(%dma_start3A_41 : memref<100x32xf32, #tpu.memory_space<vmem>>) offsets(%dma_start3A_44 : memref<100xi32, #tpu.memory_space<vmem>>) semaphore(%dma_start3A_49 : memref<!tpu.dma_semaphore, #tpu.memory_space<semaphore_mem>>)
    %dma_start3A_50 = arith.constant 3 : i32
    %dma_start3A_51 = arith.constant 0 : i32
    %dma_start3A_52 = arith.constant 3 : i32
    %dma_start3A_53 = arith.constant 0 : i32
    %dma_start3A_54 = arith.constant 0 : i32
    %dma_start3A_55 = arith.constant 0 : i32
    %dma_start3A_56 = tpu.memref_slice %arg6[%dma_start3A_51, %dma_start3A_52, %dma_start3A_54, %dma_start3A_55] : memref<4x4x100x32xf32, #tpu.memory_space<vmem>> -> memref<1x1x100x32xf32, #tpu.memory_space<vmem>>
    %dma_start3A_57 = tpu.memref_squeeze %dma_start3A_56 : memref<1x1x100x32xf32, #tpu.memory_space<vmem>> -> memref<100x32xf32, #tpu.memory_space<vmem>>
    %dma_start3A_58 = arith.constant 0 : i32
    %dma_start3A_59 = tpu.memref_slice %arg5[%dma_start3A_50, %dma_start3A_58] : memref<128x100xi32, #tpu.memory_space<vmem>> -> memref<1x100xi32, #tpu.memory_space<vmem>>
    %dma_start3A_60 = tpu.memref_squeeze %dma_start3A_59 : memref<1x100xi32, #tpu.memory_space<vmem>> -> memref<100xi32, #tpu.memory_space<vmem>>
    %dma_start3A_61 = arith.constant 0 : i32
    %dma_start3A_62 = arith.constant 0 : i32
    %dma_start3A_63 = tpu.memref_slice %arg3[%dma_start3A_61, %dma_start3A_62] : memref<1000000x32xf32, #tpu.memory_space<hbm>> -> memref<1000000x32xf32, #tpu.memory_space<hbm>>
    %dma_start3A_64 = tpu.memref_slice %arg7[%dma_start3A_53] : memref<4x!tpu.dma_semaphore, #tpu.memory_space<semaphore_mem>> -> memref<1x!tpu.dma_semaphore, #tpu.memory_space<semaphore_mem>>
    %dma_start3A_65 = tpu.memref_squeeze %dma_start3A_64 : memref<1x!tpu.dma_semaphore, #tpu.memory_space<semaphore_mem>> -> memref<!tpu.dma_semaphore, #tpu.memory_space<semaphore_mem>>
    tpu.enqueue_indirect_dma source(%dma_start3A_63 : memref<1000000x32xf32, #tpu.memory_space<hbm>>) target(%dma_start3A_57 : memref<100x32xf32, #tpu.memory_space<vmem>>) offsets(%dma_start3A_60 : memref<100xi32, #tpu.memory_space<vmem>>) semaphore(%dma_start3A_65 : memref<!tpu.dma_semaphore, #tpu.memory_space<semaphore_mem>>)
    %dma_start3A_66 = arith.constant 4 : i32
    %dma_start3A_67 = arith.constant 1 : i32
    %dma_start3A_68 = arith.constant 0 : i32
    %dma_start3A_69 = arith.constant 1 : i32
    %dma_start3A_70 = arith.constant 0 : i32
    %dma_start3A_71 = arith.constant 0 : i32
    %dma_start3A_72 = tpu.memref_slice %arg6[%dma_start3A_67, %dma_start3A_68, %dma_start3A_70, %dma_start3A_71] : memref<4x4x100x32xf32, #tpu.memory_space<vmem>> -> memref<1x1x100x32xf32, #tpu.memory_space<vmem>>
    %dma_start3A_73 = tpu.memref_squeeze %dma_start3A_72 : memref<1x1x100x32xf32, #tpu.memory_space<vmem>> -> memref<100x32xf32, #tpu.memory_space<vmem>>
    %dma_start3A_74 = arith.constant 0 : i32
    %dma_start3A_75 = tpu.memref_slice %arg5[%dma_start3A_66, %dma_start3A_74] : memref<128x100xi32, #tpu.memory_space<vmem>> -> memref<1x100xi32, #tpu.memory_space<vmem>>
    %dma_start3A_76 = tpu.memref_squeeze %dma_start3A_75 : memref<1x100xi32, #tpu.memory_space<vmem>> -> memref<100xi32, #tpu.memory_space<vmem>>
    %dma_start3A_77 = arith.constant 0 : i32
    %dma_start3A_78 = arith.constant 0 : i32
    %dma_start3A_79 = tpu.memref_slice %arg3[%dma_start3A_77, %dma_start3A_78] : memref<1000000x32xf32, #tpu.memory_space<hbm>> -> memref<1000000x32xf32, #tpu.memory_space<hbm>>
    %dma_start3A_80 = tpu.memref_slice %arg7[%dma_start3A_69] : memref<4x!tpu.dma_semaphore, #tpu.memory_space<semaphore_mem>> -> memref<1x!tpu.dma_semaphore, #tpu.memory_space<semaphore_mem>>
    %dma_start3A_81 = tpu.memref_squeeze %dma_start3A_80 : memref<1x!tpu.dma_semaphore, #tpu.memory_space<semaphore_mem>> -> memref<!tpu.dma_semaphore, #tpu.memory_space<semaphore_mem>>
    tpu.enqueue_indirect_dma source(%dma_start3A_79 : memref<1000000x32xf32, #tpu.memory_space<hbm>>) target(%dma_start3A_73 : memref<100x32xf32, #tpu.memory_space<vmem>>) offsets(%dma_start3A_76 : memref<100xi32, #tpu.memory_space<vmem>>) semaphore(%dma_start3A_81 : memref<!tpu.dma_semaphore, #tpu.memory_space<semaphore_mem>>)
    %dma_start3A_82 = arith.constant 5 : i32
    %dma_start3A_83 = arith.constant 1 : i32
    %dma_start3A_84 = arith.constant 1 : i32
    %dma_start3A_85 = arith.constant 1 : i32
    %dma_start3A_86 = arith.constant 0 : i32
    %dma_start3A_87 = arith.constant 0 : i32
    %dma_start3A_88 = tpu.memref_slice %arg6[%dma_start3A_83, %dma_start3A_84, %dma_start3A_86, %dma_start3A_87] : memref<4x4x100x32xf32, #tpu.memory_space<vmem>> -> memref<1x1x100x32xf32, #tpu.memory_space<vmem>>
    %dma_start3A_89 = tpu.memref_squeeze %dma_start3A_88 : memref<1x1x100x32xf32, #tpu.memory_space<vmem>> -> memref<100x32xf32, #tpu.memory_space<vmem>>
    %dma_start3A_90 = arith.constant 0 : i32
    %dma_start3A_91 = tpu.memref_slice %arg5[%dma_start3A_82, %dma_start3A_90] : memref<128x100xi32, #tpu.memory_space<vmem>> -> memref<1x100xi32, #tpu.memory_space<vmem>>
    %dma_start3A_92 = tpu.memref_squeeze %dma_start3A_91 : memref<1x100xi32, #tpu.memory_space<vmem>> -> memref<100xi32, #tpu.memory_space<vmem>>
    %dma_start3A_93 = arith.constant 0 : i32
    %dma_start3A_94 = arith.constant 0 : i32
    %dma_start3A_95 = tpu.memref_slice %arg3[%dma_start3A_93, %dma_start3A_94] : memref<1000000x32xf32, #tpu.memory_space<hbm>> -> memref<1000000x32xf32, #tpu.memory_space<hbm>>
    %dma_start3A_96 = tpu.memref_slice %arg7[%dma_start3A_85] : memref<4x!tpu.dma_semaphore, #tpu.memory_space<semaphore_mem>> -> memref<1x!tpu.dma_semaphore, #tpu.memory_space<semaphore_mem>>
    %dma_start3A_97 = tpu.memref_squeeze %dma_start3A_96 : memref<1x!tpu.dma_semaphore, #tpu.memory_space<semaphore_mem>> -> memref<!tpu.dma_semaphore, #tpu.memory_space<semaphore_mem>>
    tpu.enqueue_indirect_dma source(%dma_start3A_95 : memref<1000000x32xf32, #tpu.memory_space<hbm>>) target(%dma_start3A_89 : memref<100x32xf32, #tpu.memory_space<vmem>>) offsets(%dma_start3A_92 : memref<100xi32, #tpu.memory_space<vmem>>) semaphore(%dma_start3A_97 : memref<!tpu.dma_semaphore, #tpu.memory_space<semaphore_mem>>)
    %dma_start3A_98 = arith.constant 6 : i32
    %dma_start3A_99 = arith.constant 1 : i32
    %dma_start3A_100 = arith.constant 2 : i32
    %dma_start3A_101 = arith.constant 1 : i32
    %dma_start3A_102 = arith.constant 0 : i32
    %dma_start3A_103 = arith.constant 0 : i32
    %dma_start3A_104 = tpu.memref_slice %arg6[%dma_start3A_99, %dma_start3A_100, %dma_start3A_102, %dma_start3A_103] : memref<4x4x100x32xf32, #tpu.memory_space<vmem>> -> memref<1x1x100x32xf32, #tpu.memory_space<vmem>>
    %dma_start3A_105 = tpu.memref_squeeze %dma_start3A_104 : memref<1x1x100x32xf32, #tpu.memory_space<vmem>> -> memref<100x32xf32, #tpu.memory_space<vmem>>
    %dma_start3A_106 = arith.constant 0 : i32
    %dma_start3A_107 = tpu.memref_slice %arg5[%dma_start3A_98, %dma_start3A_106] : memref<128x100xi32, #tpu.memory_space<vmem>> -> memref<1x100xi32, #tpu.memory_space<vmem>>
    %dma_start3A_108 = tpu.memref_squeeze %dma_start3A_107 : memref<1x100xi32, #tpu.memory_space<vmem>> -> memref<100xi32, #tpu.memory_space<vmem>>
    %dma_start3A_109 = arith.constant 0 : i32
    %dma_start3A_110 = arith.constant 0 : i32
    %dma_start3A_111 = tpu.memref_slice %arg3[%dma_start3A_109, %dma_start3A_110] : memref<1000000x32xf32, #tpu.memory_space<hbm>> -> memref<1000000x32xf32, #tpu.memory_space<hbm>>
    %dma_start3A_112 = tpu.memref_slice %arg7[%dma_start3A_101] : memref<4x!tpu.dma_semaphore, #tpu.memory_space<semaphore_mem>> -> memref<1x!tpu.dma_semaphore, #tpu.memory_space<semaphore_mem>>
    %dma_start3A_113 = tpu.memref_squeeze %dma_start3A_112 : memref<1x!tpu.dma_semaphore, #tpu.memory_space<semaphore_mem>> -> memref<!tpu.dma_semaphore, #tpu.memory_space<semaphore_mem>>
    tpu.enqueue_indirect_dma source(%dma_start3A_111 : memref<1000000x32xf32, #tpu.memory_space<hbm>>) target(%dma_start3A_105 : memref<100x32xf32, #tpu.memory_space<vmem>>) offsets(%dma_start3A_108 : memref<100xi32, #tpu.memory_space<vmem>>) semaphore(%dma_start3A_113 : memref<!tpu.dma_semaphore, #tpu.memory_space<semaphore_mem>>)
    %dma_start3A_114 = arith.constant 7 : i32
    %dma_start3A_115 = arith.constant 1 : i32
    %dma_start3A_116 = arith.constant 3 : i32
    %dma_start3A_117 = arith.constant 1 : i32
    %dma_start3A_118 = arith.constant 0 : i32
    %dma_start3A_119 = arith.constant 0 : i32
    %dma_start3A_120 = tpu.memref_slice %arg6[%dma_start3A_115, %dma_start3A_116, %dma_start3A_118, %dma_start3A_119] : memref<4x4x100x32xf32, #tpu.memory_space<vmem>> -> memref<1x1x100x32xf32, #tpu.memory_space<vmem>>
    %dma_start3A_121 = tpu.memref_squeeze %dma_start3A_120 : memref<1x1x100x32xf32, #tpu.memory_space<vmem>> -> memref<100x32xf32, #tpu.memory_space<vmem>>
    %dma_start3A_122 = arith.constant 0 : i32
    %dma_start3A_123 = tpu.memref_slice %arg5[%dma_start3A_114, %dma_start3A_122] : memref<128x100xi32, #tpu.memory_space<vmem>> -> memref<1x100xi32, #tpu.memory_space<vmem>>
    %dma_start3A_124 = tpu.memref_squeeze %dma_start3A_123 : memref<1x100xi32, #tpu.memory_space<vmem>> -> memref<100xi32, #tpu.memory_space<vmem>>
    %dma_start3A_125 = arith.constant 0 : i32
    %dma_start3A_126 = arith.constant 0 : i32
    %dma_start3A_127 = tpu.memref_slice %arg3[%dma_start3A_125, %dma_start3A_126] : memref<1000000x32xf32, #tpu.memory_space<hbm>> -> memref<1000000x32xf32, #tpu.memory_space<hbm>>
    %dma_start3A_128 = tpu.memref_slice %arg7[%dma_start3A_117] : memref<4x!tpu.dma_semaphore, #tpu.memory_space<semaphore_mem>> -> memref<1x!tpu.dma_semaphore, #tpu.memory_space<semaphore_mem>>
    %dma_start3A_129 = tpu.memref_squeeze %dma_start3A_128 : memref<1x!tpu.dma_semaphore, #tpu.memory_space<semaphore_mem>> -> memref<!tpu.dma_semaphore, #tpu.memory_space<semaphore_mem>>
    tpu.enqueue_indirect_dma source(%dma_start3A_127 : memref<1000000x32xf32, #tpu.memory_space<hbm>>) target(%dma_start3A_121 : memref<100x32xf32, #tpu.memory_space<vmem>>) offsets(%dma_start3A_124 : memref<100xi32, #tpu.memory_space<vmem>>) semaphore(%dma_start3A_129 : memref<!tpu.dma_semaphore, #tpu.memory_space<semaphore_mem>>)
    %scan3A = arith.constant 0 : i32
    %scan3A_130 = arith.constant 8 : i32
    %scan3A_131 = arith.addi %scan3A, %scan3A_130 : i32
    %scan3A_132 = arith.constant 1 : i32
    scf.for %scan3A_221 = %scan3A to %scan3A_131 step %scan3A_132  : i32 {
      %mul3A_222 = arith.constant 4 : i32
      %mul3A_223 = arith.muli %scan3A_221, %mul3A_222 : i32
      %add3A_224 = arith.constant 0 : i32
      %add3A_225 = arith.addi %add3A_224, %mul3A_223 : i32
      %add3A_226 = arith.constant 0 : i32
      %add3A_227 = arith.addi %add3A_225, %add3A_226 : i32
      %add3A_228 = arith.constant 2 : i32
      %add3A_229 = arith.addi %add3A_227, %add3A_228 : i32
      %lt3A = arith.constant 32 : i32
      %lt3A_230 = arith.cmpi slt, %add3A_229, %lt3A : i32
      %convert_element_type3A = arith.extui %lt3A_230 : i1 to i32
      %cond3A = arith.constant 0 : i32
      %cond3A_231 = arith.cmpi ne, %convert_element_type3A, %cond3A : i32
      scf.if %cond3A_231 {
        %ge3A = arith.constant 4 : i32
        %ge3A_655 = arith.cmpi sge, %add3A_229, %ge3A : i32
        %convert_element_type3A_656 = arith.extui %ge3A_655 : i1 to i32
        %cond3A_657 = arith.constant 0 : i32
        %cond3A_658 = arith.cmpi ne, %convert_element_type3A_656, %cond3A_657 : i32
        scf.if %cond3A_658 {
          %dma_wait3A_735 = arith.constant 2 : i32
          %dma_wait3A_736 = arith.constant 2 : i32
          %dma_wait3A_737 = arith.constant 0 : i32
          %dma_wait3A_738 = arith.constant 0 : i32
          %dma_wait3A_739 = arith.constant 0 : i32
          %dma_wait3A_740 = tpu.memref_slice %arg6[%dma_wait3A_735, %dma_wait3A_737, %dma_wait3A_738, %dma_wait3A_739] : memref<4x4x100x32xf32, #tpu.memory_space<vmem>> -> memref<1x4x100x32xf32, #tpu.memory_space<vmem>>
          %dma_wait3A_741 = tpu.memref_squeeze %dma_wait3A_740 : memref<1x4x100x32xf32, #tpu.memory_space<vmem>> -> memref<4x100x32xf32, #tpu.memory_space<vmem>>
          %dma_wait3A_742 = arith.constant 0 : i32
          %dma_wait3A_743 = arith.constant 0 : i32
          %dma_wait3A_744 = arith.constant 0 : i32
          %dma_wait3A_745 = tpu.memref_slice %arg4[%dma_wait3A_742, %dma_wait3A_743, %dma_wait3A_744] : memref<4096x104x128xf32, #tpu.memory_space<hbm>> -> memref<4x100x32xf32, #tpu.memory_space<hbm>>
          %dma_wait3A_746 = tpu.memref_slice %arg8[%dma_wait3A_736] : memref<4x!tpu.dma_semaphore, #tpu.memory_space<semaphore_mem>> -> memref<1x!tpu.dma_semaphore, #tpu.memory_space<semaphore_mem>>
          %dma_wait3A_747 = tpu.memref_squeeze %dma_wait3A_746 : memref<1x!tpu.dma_semaphore, #tpu.memory_space<semaphore_mem>> -> memref<!tpu.dma_semaphore, #tpu.memory_space<semaphore_mem>>
          %dma_wait3A_748 = arith.constant 0 : i32
          %dma_wait3A_749 = arith.constant 0 : i32
          %dma_wait3A_750 = arith.constant 0 : i32
          %dma_wait3A_751 = tpu.memref_slice %arg4[%dma_wait3A_748, %dma_wait3A_749, %dma_wait3A_750] : memref<4096x104x128xf32, #tpu.memory_space<hbm>> -> memref<4x100x32xf32, #tpu.memory_space<hbm>>
          %dma_wait3A_752 = arith.constant 0 : i32
          %dma_wait3A_753 = arith.constant 0 : i32
          %dma_wait3A_754 = arith.constant 0 : i32
          %dma_wait3A_755 = tpu.memref_slice %arg6[%dma_wait3A_735, %dma_wait3A_752, %dma_wait3A_753, %dma_wait3A_754] : memref<4x4x100x32xf32, #tpu.memory_space<vmem>> -> memref<1x4x100x32xf32, #tpu.memory_space<vmem>>
          %dma_wait3A_756 = tpu.memref_squeeze %dma_wait3A_755 : memref<1x4x100x32xf32, #tpu.memory_space<vmem>> -> memref<4x100x32xf32, #tpu.memory_space<vmem>>
          tpu.wait_dma2 semaphore(%dma_wait3A_747 : memref<!tpu.dma_semaphore, #tpu.memory_space<semaphore_mem>>) src(%dma_wait3A_756 : memref<4x100x32xf32, #tpu.memory_space<vmem>>) dst(%dma_wait3A_751 : memref<4x100x32xf32, #tpu.memory_space<hbm>>)
        } else {
        }
        %mul3A_659 = arith.constant 4 : i32
        %mul3A_660 = arith.muli %add3A_229, %mul3A_659 : i32
        %add3A_661 = arith.constant 0 : i32
        %add3A_662 = arith.addi %mul3A_660, %add3A_661 : i32
        %dma_start3A_663 = arith.constant 2 : i32
        %dma_start3A_664 = arith.constant 0 : i32
        %dma_start3A_665 = arith.constant 2 : i32
        %dma_start3A_666 = arith.constant 0 : i32
        %dma_start3A_667 = arith.constant 0 : i32
        %dma_start3A_668 = tpu.memref_slice %arg6[%dma_start3A_663, %dma_start3A_664, %dma_start3A_666, %dma_start3A_667] : memref<4x4x100x32xf32, #tpu.memory_space<vmem>> -> memref<1x1x100x32xf32, #tpu.memory_space<vmem>>
        %dma_start3A_669 = tpu.memref_squeeze %dma_start3A_668 : memref<1x1x100x32xf32, #tpu.memory_space<vmem>> -> memref<100x32xf32, #tpu.memory_space<vmem>>
        %dma_start3A_670 = arith.constant 0 : i32
        %dma_start3A_671 = tpu.memref_slice %arg5[%add3A_662, %dma_start3A_670] : memref<128x100xi32, #tpu.memory_space<vmem>> -> memref<1x100xi32, #tpu.memory_space<vmem>>
        %dma_start3A_672 = tpu.memref_squeeze %dma_start3A_671 : memref<1x100xi32, #tpu.memory_space<vmem>> -> memref<100xi32, #tpu.memory_space<vmem>>
        %dma_start3A_673 = arith.constant 0 : i32
        %dma_start3A_674 = arith.constant 0 : i32
        %dma_start3A_675 = tpu.memref_slice %arg3[%dma_start3A_673, %dma_start3A_674] : memref<1000000x32xf32, #tpu.memory_space<hbm>> -> memref<1000000x32xf32, #tpu.memory_space<hbm>>
        %dma_start3A_676 = tpu.memref_slice %arg7[%dma_start3A_665] : memref<4x!tpu.dma_semaphore, #tpu.memory_space<semaphore_mem>> -> memref<1x!tpu.dma_semaphore, #tpu.memory_space<semaphore_mem>>
        %dma_start3A_677 = tpu.memref_squeeze %dma_start3A_676 : memref<1x!tpu.dma_semaphore, #tpu.memory_space<semaphore_mem>> -> memref<!tpu.dma_semaphore, #tpu.memory_space<semaphore_mem>>
        tpu.enqueue_indirect_dma source(%dma_start3A_675 : memref<1000000x32xf32, #tpu.memory_space<hbm>>) target(%dma_start3A_669 : memref<100x32xf32, #tpu.memory_space<vmem>>) offsets(%dma_start3A_672 : memref<100xi32, #tpu.memory_space<vmem>>) semaphore(%dma_start3A_677 : memref<!tpu.dma_semaphore, #tpu.memory_space<semaphore_mem>>)
        %mul3A_678 = arith.constant 4 : i32
        %mul3A_679 = arith.muli %add3A_229, %mul3A_678 : i32
        %add3A_680 = arith.constant 1 : i32
        %add3A_681 = arith.addi %mul3A_679, %add3A_680 : i32
        %dma_start3A_682 = arith.constant 2 : i32
        %dma_start3A_683 = arith.constant 1 : i32
        %dma_start3A_684 = arith.constant 2 : i32
        %dma_start3A_685 = arith.constant 0 : i32
        %dma_start3A_686 = arith.constant 0 : i32
        %dma_start3A_687 = tpu.memref_slice %arg6[%dma_start3A_682, %dma_start3A_683, %dma_start3A_685, %dma_start3A_686] : memref<4x4x100x32xf32, #tpu.memory_space<vmem>> -> memref<1x1x100x32xf32, #tpu.memory_space<vmem>>
        %dma_start3A_688 = tpu.memref_squeeze %dma_start3A_687 : memref<1x1x100x32xf32, #tpu.memory_space<vmem>> -> memref<100x32xf32, #tpu.memory_space<vmem>>
        %dma_start3A_689 = arith.constant 0 : i32
        %dma_start3A_690 = tpu.memref_slice %arg5[%add3A_681, %dma_start3A_689] : memref<128x100xi32, #tpu.memory_space<vmem>> -> memref<1x100xi32, #tpu.memory_space<vmem>>
        %dma_start3A_691 = tpu.memref_squeeze %dma_start3A_690 : memref<1x100xi32, #tpu.memory_space<vmem>> -> memref<100xi32, #tpu.memory_space<vmem>>
        %dma_start3A_692 = arith.constant 0 : i32
        %dma_start3A_693 = arith.constant 0 : i32
        %dma_start3A_694 = tpu.memref_slice %arg3[%dma_start3A_692, %dma_start3A_693] : memref<1000000x32xf32, #tpu.memory_space<hbm>> -> memref<1000000x32xf32, #tpu.memory_space<hbm>>
        %dma_start3A_695 = tpu.memref_slice %arg7[%dma_start3A_684] : memref<4x!tpu.dma_semaphore, #tpu.memory_space<semaphore_mem>> -> memref<1x!tpu.dma_semaphore, #tpu.memory_space<semaphore_mem>>
        %dma_start3A_696 = tpu.memref_squeeze %dma_start3A_695 : memref<1x!tpu.dma_semaphore, #tpu.memory_space<semaphore_mem>> -> memref<!tpu.dma_semaphore, #tpu.memory_space<semaphore_mem>>
        tpu.enqueue_indirect_dma source(%dma_start3A_694 : memref<1000000x32xf32, #tpu.memory_space<hbm>>) target(%dma_start3A_688 : memref<100x32xf32, #tpu.memory_space<vmem>>) offsets(%dma_start3A_691 : memref<100xi32, #tpu.memory_space<vmem>>) semaphore(%dma_start3A_696 : memref<!tpu.dma_semaphore, #tpu.memory_space<semaphore_mem>>)
        %mul3A_697 = arith.constant 4 : i32
        %mul3A_698 = arith.muli %add3A_229, %mul3A_697 : i32
        %add3A_699 = arith.constant 2 : i32
        %add3A_700 = arith.addi %mul3A_698, %add3A_699 : i32
        %dma_start3A_701 = arith.constant 2 : i32
        %dma_start3A_702 = arith.constant 2 : i32
        %dma_start3A_703 = arith.constant 2 : i32
        %dma_start3A_704 = arith.constant 0 : i32
        %dma_start3A_705 = arith.constant 0 : i32
        %dma_start3A_706 = tpu.memref_slice %arg6[%dma_start3A_701, %dma_start3A_702, %dma_start3A_704, %dma_start3A_705] : memref<4x4x100x32xf32, #tpu.memory_space<vmem>> -> memref<1x1x100x32xf32, #tpu.memory_space<vmem>>
        %dma_start3A_707 = tpu.memref_squeeze %dma_start3A_706 : memref<1x1x100x32xf32, #tpu.memory_space<vmem>> -> memref<100x32xf32, #tpu.memory_space<vmem>>
        %dma_start3A_708 = arith.constant 0 : i32
        %dma_start3A_709 = tpu.memref_slice %arg5[%add3A_700, %dma_start3A_708] : memref<128x100xi32, #tpu.memory_space<vmem>> -> memref<1x100xi32, #tpu.memory_space<vmem>>
        %dma_start3A_710 = tpu.memref_squeeze %dma_start3A_709 : memref<1x100xi32, #tpu.memory_space<vmem>> -> memref<100xi32, #tpu.memory_space<vmem>>
        %dma_start3A_711 = arith.constant 0 : i32
        %dma_start3A_712 = arith.constant 0 : i32
        %dma_start3A_713 = tpu.memref_slice %arg3[%dma_start3A_711, %dma_start3A_712] : memref<1000000x32xf32, #tpu.memory_space<hbm>> -> memref<1000000x32xf32, #tpu.memory_space<hbm>>
        %dma_start3A_714 = tpu.memref_slice %arg7[%dma_start3A_703] : memref<4x!tpu.dma_semaphore, #tpu.memory_space<semaphore_mem>> -> memref<1x!tpu.dma_semaphore, #tpu.memory_space<semaphore_mem>>
        %dma_start3A_715 = tpu.memref_squeeze %dma_start3A_714 : memref<1x!tpu.dma_semaphore, #tpu.memory_space<semaphore_mem>> -> memref<!tpu.dma_semaphore, #tpu.memory_space<semaphore_mem>>
        tpu.enqueue_indirect_dma source(%dma_start3A_713 : memref<1000000x32xf32, #tpu.memory_space<hbm>>) target(%dma_start3A_707 : memref<100x32xf32, #tpu.memory_space<vmem>>) offsets(%dma_start3A_710 : memref<100xi32, #tpu.memory_space<vmem>>) semaphore(%dma_start3A_715 : memref<!tpu.dma_semaphore, #tpu.memory_space<semaphore_mem>>)
        %mul3A_716 = arith.constant 4 : i32
        %mul3A_717 = arith.muli %add3A_229, %mul3A_716 : i32
        %add3A_718 = arith.constant 3 : i32
        %add3A_719 = arith.addi %mul3A_717, %add3A_718 : i32
        %dma_start3A_720 = arith.constant 2 : i32
        %dma_start3A_721 = arith.constant 3 : i32
        %dma_start3A_722 = arith.constant 2 : i32
        %dma_start3A_723 = arith.constant 0 : i32
        %dma_start3A_724 = arith.constant 0 : i32
        %dma_start3A_725 = tpu.memref_slice %arg6[%dma_start3A_720, %dma_start3A_721, %dma_start3A_723, %dma_start3A_724] : memref<4x4x100x32xf32, #tpu.memory_space<vmem>> -> memref<1x1x100x32xf32, #tpu.memory_space<vmem>>
        %dma_start3A_726 = tpu.memref_squeeze %dma_start3A_725 : memref<1x1x100x32xf32, #tpu.memory_space<vmem>> -> memref<100x32xf32, #tpu.memory_space<vmem>>
        %dma_start3A_727 = arith.constant 0 : i32
        %dma_start3A_728 = tpu.memref_slice %arg5[%add3A_719, %dma_start3A_727] : memref<128x100xi32, #tpu.memory_space<vmem>> -> memref<1x100xi32, #tpu.memory_space<vmem>>
        %dma_start3A_729 = tpu.memref_squeeze %dma_start3A_728 : memref<1x100xi32, #tpu.memory_space<vmem>> -> memref<100xi32, #tpu.memory_space<vmem>>
        %dma_start3A_730 = arith.constant 0 : i32
        %dma_start3A_731 = arith.constant 0 : i32
        %dma_start3A_732 = tpu.memref_slice %arg3[%dma_start3A_730, %dma_start3A_731] : memref<1000000x32xf32, #tpu.memory_space<hbm>> -> memref<1000000x32xf32, #tpu.memory_space<hbm>>
        %dma_start3A_733 = tpu.memref_slice %arg7[%dma_start3A_722] : memref<4x!tpu.dma_semaphore, #tpu.memory_space<semaphore_mem>> -> memref<1x!tpu.dma_semaphore, #tpu.memory_space<semaphore_mem>>
        %dma_start3A_734 = tpu.memref_squeeze %dma_start3A_733 : memref<1x!tpu.dma_semaphore, #tpu.memory_space<semaphore_mem>> -> memref<!tpu.dma_semaphore, #tpu.memory_space<semaphore_mem>>
        tpu.enqueue_indirect_dma source(%dma_start3A_732 : memref<1000000x32xf32, #tpu.memory_space<hbm>>) target(%dma_start3A_726 : memref<100x32xf32, #tpu.memory_space<vmem>>) offsets(%dma_start3A_729 : memref<100xi32, #tpu.memory_space<vmem>>) semaphore(%dma_start3A_734 : memref<!tpu.dma_semaphore, #tpu.memory_space<semaphore_mem>>)
      } else {
      }
      %mul3A_232 = arith.constant 4 : i32
      %mul3A_233 = arith.muli %add3A_227, %mul3A_232 : i32
      %add3A_234 = arith.constant 0 : i32
      %add3A_235 = arith.addi %mul3A_233, %add3A_234 : i32
      %dma_wait3A_236 = arith.constant 0 : i32
      %dma_wait3A_237 = arith.constant 0 : i32
      %dma_wait3A_238 = arith.constant 0 : i32
      %dma_wait3A_239 = arith.constant 0 : i32
      %dma_wait3A_240 = arith.constant 0 : i32
      %dma_wait3A_241 = tpu.memref_slice %arg6[%dma_wait3A_236, %dma_wait3A_237, %dma_wait3A_239, %dma_wait3A_240] : memref<4x4x100x32xf32, #tpu.memory_space<vmem>> -> memref<1x1x100x32xf32, #tpu.memory_space<vmem>>
      %dma_wait3A_242 = tpu.memref_squeeze %dma_wait3A_241 : memref<1x1x100x32xf32, #tpu.memory_space<vmem>> -> memref<100x32xf32, #tpu.memory_space<vmem>>
      %dma_wait3A_243 = arith.constant 0 : i32
      %dma_wait3A_244 = tpu.memref_slice %arg5[%add3A_235, %dma_wait3A_243] : memref<128x100xi32, #tpu.memory_space<vmem>> -> memref<1x100xi32, #tpu.memory_space<vmem>>
      %dma_wait3A_245 = tpu.memref_squeeze %dma_wait3A_244 : memref<1x100xi32, #tpu.memory_space<vmem>> -> memref<100xi32, #tpu.memory_space<vmem>>
      %dma_wait3A_246 = arith.constant 0 : i32
      %dma_wait3A_247 = arith.constant 0 : i32
      %dma_wait3A_248 = tpu.memref_slice %arg3[%dma_wait3A_246, %dma_wait3A_247] : memref<1000000x32xf32, #tpu.memory_space<hbm>> -> memref<1000000x32xf32, #tpu.memory_space<hbm>>
      %dma_wait3A_249 = tpu.memref_slice %arg7[%dma_wait3A_238] : memref<4x!tpu.dma_semaphore, #tpu.memory_space<semaphore_mem>> -> memref<1x!tpu.dma_semaphore, #tpu.memory_space<semaphore_mem>>
      %dma_wait3A_250 = tpu.memref_squeeze %dma_wait3A_249 : memref<1x!tpu.dma_semaphore, #tpu.memory_space<semaphore_mem>> -> memref<!tpu.dma_semaphore, #tpu.memory_space<semaphore_mem>>
      tpu.wait_indirect_dma semaphore(%dma_wait3A_250 : memref<!tpu.dma_semaphore, #tpu.memory_space<semaphore_mem>>) src(%dma_wait3A_248 : memref<1000000x32xf32, #tpu.memory_space<hbm>>) dst(%dma_wait3A_242 : memref<100x32xf32, #tpu.memory_space<vmem>>)
      %mul3A_251 = arith.constant 4 : i32
      %mul3A_252 = arith.muli %add3A_227, %mul3A_251 : i32
      %add3A_253 = arith.constant 1 : i32
      %add3A_254 = arith.addi %mul3A_252, %add3A_253 : i32
      %dma_wait3A_255 = arith.constant 0 : i32
      %dma_wait3A_256 = arith.constant 1 : i32
      %dma_wait3A_257 = arith.constant 0 : i32
      %dma_wait3A_258 = arith.constant 0 : i32
      %dma_wait3A_259 = arith.constant 0 : i32
      %dma_wait3A_260 = tpu.memref_slice %arg6[%dma_wait3A_255, %dma_wait3A_256, %dma_wait3A_258, %dma_wait3A_259] : memref<4x4x100x32xf32, #tpu.memory_space<vmem>> -> memref<1x1x100x32xf32, #tpu.memory_space<vmem>>
      %dma_wait3A_261 = tpu.memref_squeeze %dma_wait3A_260 : memref<1x1x100x32xf32, #tpu.memory_space<vmem>> -> memref<100x32xf32, #tpu.memory_space<vmem>>
      %dma_wait3A_262 = arith.constant 0 : i32
      %dma_wait3A_263 = tpu.memref_slice %arg5[%add3A_254, %dma_wait3A_262] : memref<128x100xi32, #tpu.memory_space<vmem>> -> memref<1x100xi32, #tpu.memory_space<vmem>>
      %dma_wait3A_264 = tpu.memref_squeeze %dma_wait3A_263 : memref<1x100xi32, #tpu.memory_space<vmem>> -> memref<100xi32, #tpu.memory_space<vmem>>
      %dma_wait3A_265 = arith.constant 0 : i32
      %dma_wait3A_266 = arith.constant 0 : i32
      %dma_wait3A_267 = tpu.memref_slice %arg3[%dma_wait3A_265, %dma_wait3A_266] : memref<1000000x32xf32, #tpu.memory_space<hbm>> -> memref<1000000x32xf32, #tpu.memory_space<hbm>>
      %dma_wait3A_268 = tpu.memref_slice %arg7[%dma_wait3A_257] : memref<4x!tpu.dma_semaphore, #tpu.memory_space<semaphore_mem>> -> memref<1x!tpu.dma_semaphore, #tpu.memory_space<semaphore_mem>>
      %dma_wait3A_269 = tpu.memref_squeeze %dma_wait3A_268 : memref<1x!tpu.dma_semaphore, #tpu.memory_space<semaphore_mem>> -> memref<!tpu.dma_semaphore, #tpu.memory_space<semaphore_mem>>
      tpu.wait_indirect_dma semaphore(%dma_wait3A_269 : memref<!tpu.dma_semaphore, #tpu.memory_space<semaphore_mem>>) src(%dma_wait3A_267 : memref<1000000x32xf32, #tpu.memory_space<hbm>>) dst(%dma_wait3A_261 : memref<100x32xf32, #tpu.memory_space<vmem>>)
      %mul3A_270 = arith.constant 4 : i32
      %mul3A_271 = arith.muli %add3A_227, %mul3A_270 : i32
      %add3A_272 = arith.constant 2 : i32
      %add3A_273 = arith.addi %mul3A_271, %add3A_272 : i32
      %dma_wait3A_274 = arith.constant 0 : i32
      %dma_wait3A_275 = arith.constant 2 : i32
      %dma_wait3A_276 = arith.constant 0 : i32
      %dma_wait3A_277 = arith.constant 0 : i32
      %dma_wait3A_278 = arith.constant 0 : i32
      %dma_wait3A_279 = tpu.memref_slice %arg6[%dma_wait3A_274, %dma_wait3A_275, %dma_wait3A_277, %dma_wait3A_278] : memref<4x4x100x32xf32, #tpu.memory_space<vmem>> -> memref<1x1x100x32xf32, #tpu.memory_space<vmem>>
      %dma_wait3A_280 = tpu.memref_squeeze %dma_wait3A_279 : memref<1x1x100x32xf32, #tpu.memory_space<vmem>> -> memref<100x32xf32, #tpu.memory_space<vmem>>
      %dma_wait3A_281 = arith.constant 0 : i32
      %dma_wait3A_282 = tpu.memref_slice %arg5[%add3A_273, %dma_wait3A_281] : memref<128x100xi32, #tpu.memory_space<vmem>> -> memref<1x100xi32, #tpu.memory_space<vmem>>
      %dma_wait3A_283 = tpu.memref_squeeze %dma_wait3A_282 : memref<1x100xi32, #tpu.memory_space<vmem>> -> memref<100xi32, #tpu.memory_space<vmem>>
      %dma_wait3A_284 = arith.constant 0 : i32
      %dma_wait3A_285 = arith.constant 0 : i32
      %dma_wait3A_286 = tpu.memref_slice %arg3[%dma_wait3A_284, %dma_wait3A_285] : memref<1000000x32xf32, #tpu.memory_space<hbm>> -> memref<1000000x32xf32, #tpu.memory_space<hbm>>
      %dma_wait3A_287 = tpu.memref_slice %arg7[%dma_wait3A_276] : memref<4x!tpu.dma_semaphore, #tpu.memory_space<semaphore_mem>> -> memref<1x!tpu.dma_semaphore, #tpu.memory_space<semaphore_mem>>
      %dma_wait3A_288 = tpu.memref_squeeze %dma_wait3A_287 : memref<1x!tpu.dma_semaphore, #tpu.memory_space<semaphore_mem>> -> memref<!tpu.dma_semaphore, #tpu.memory_space<semaphore_mem>>
      tpu.wait_indirect_dma semaphore(%dma_wait3A_288 : memref<!tpu.dma_semaphore, #tpu.memory_space<semaphore_mem>>) src(%dma_wait3A_286 : memref<1000000x32xf32, #tpu.memory_space<hbm>>) dst(%dma_wait3A_280 : memref<100x32xf32, #tpu.memory_space<vmem>>)
      %mul3A_289 = arith.constant 4 : i32
      %mul3A_290 = arith.muli %add3A_227, %mul3A_289 : i32
      %add3A_291 = arith.constant 3 : i32
      %add3A_292 = arith.addi %mul3A_290, %add3A_291 : i32
      %dma_wait3A_293 = arith.constant 0 : i32
      %dma_wait3A_294 = arith.constant 3 : i32
      %dma_wait3A_295 = arith.constant 0 : i32
      %dma_wait3A_296 = arith.constant 0 : i32
      %dma_wait3A_297 = arith.constant 0 : i32
      %dma_wait3A_298 = tpu.memref_slice %arg6[%dma_wait3A_293, %dma_wait3A_294, %dma_wait3A_296, %dma_wait3A_297] : memref<4x4x100x32xf32, #tpu.memory_space<vmem>> -> memref<1x1x100x32xf32, #tpu.memory_space<vmem>>
      %dma_wait3A_299 = tpu.memref_squeeze %dma_wait3A_298 : memref<1x1x100x32xf32, #tpu.memory_space<vmem>> -> memref<100x32xf32, #tpu.memory_space<vmem>>
      %dma_wait3A_300 = arith.constant 0 : i32
      %dma_wait3A_301 = tpu.memref_slice %arg5[%add3A_292, %dma_wait3A_300] : memref<128x100xi32, #tpu.memory_space<vmem>> -> memref<1x100xi32, #tpu.memory_space<vmem>>
      %dma_wait3A_302 = tpu.memref_squeeze %dma_wait3A_301 : memref<1x100xi32, #tpu.memory_space<vmem>> -> memref<100xi32, #tpu.memory_space<vmem>>
      %dma_wait3A_303 = arith.constant 0 : i32
      %dma_wait3A_304 = arith.constant 0 : i32
      %dma_wait3A_305 = tpu.memref_slice %arg3[%dma_wait3A_303, %dma_wait3A_304] : memref<1000000x32xf32, #tpu.memory_space<hbm>> -> memref<1000000x32xf32, #tpu.memory_space<hbm>>
      %dma_wait3A_306 = tpu.memref_slice %arg7[%dma_wait3A_295] : memref<4x!tpu.dma_semaphore, #tpu.memory_space<semaphore_mem>> -> memref<1x!tpu.dma_semaphore, #tpu.memory_space<semaphore_mem>>
      %dma_wait3A_307 = tpu.memref_squeeze %dma_wait3A_306 : memref<1x!tpu.dma_semaphore, #tpu.memory_space<semaphore_mem>> -> memref<!tpu.dma_semaphore, #tpu.memory_space<semaphore_mem>>
      tpu.wait_indirect_dma semaphore(%dma_wait3A_307 : memref<!tpu.dma_semaphore, #tpu.memory_space<semaphore_mem>>) src(%dma_wait3A_305 : memref<1000000x32xf32, #tpu.memory_space<hbm>>) dst(%dma_wait3A_299 : memref<100x32xf32, #tpu.memory_space<vmem>>)
      %mul3A_308 = arith.constant 4 : i32
      %mul3A_309 = arith.muli %add3A_227, %mul3A_308 : i32
      %add3A_310 = arith.addi %mul3A_2, %mul3A_309 : i32
      %dma_start3A_311 = arith.constant 0 : i32
      %dma_start3A_312 = arith.constant 0 : i32
      %dma_start3A_313 = arith.constant 0 : i32
      %dma_start3A_314 = arith.constant 0 : i32
      %dma_start3A_315 = arith.constant 0 : i32
      %dma_start3A_316 = tpu.memref_slice %arg6[%dma_start3A_311, %dma_start3A_313, %dma_start3A_314, %dma_start3A_315] : memref<4x4x100x32xf32, #tpu.memory_space<vmem>> -> memref<1x4x100x32xf32, #tpu.memory_space<vmem>>
      %dma_start3A_317 = tpu.memref_squeeze %dma_start3A_316 : memref<1x4x100x32xf32, #tpu.memory_space<vmem>> -> memref<4x100x32xf32, #tpu.memory_space<vmem>>
      %dma_start3A_318 = arith.constant 0 : i32
      %dma_start3A_319 = arith.constant 0 : i32
      %dma_start3A_320 = tpu.memref_slice %arg4[%add3A_310, %dma_start3A_318, %dma_start3A_319] : memref<4096x104x128xf32, #tpu.memory_space<hbm>> -> memref<4x100x32xf32, #tpu.memory_space<hbm>>
      %dma_start3A_321 = tpu.memref_slice %arg8[%dma_start3A_312] : memref<4x!tpu.dma_semaphore, #tpu.memory_space<semaphore_mem>> -> memref<1x!tpu.dma_semaphore, #tpu.memory_space<semaphore_mem>>
      %dma_start3A_322 = tpu.memref_squeeze %dma_start3A_321 : memref<1x!tpu.dma_semaphore, #tpu.memory_space<semaphore_mem>> -> memref<!tpu.dma_semaphore, #tpu.memory_space<semaphore_mem>>
      %dma_start3A_323 = arith.constant 0 : i32
      %dma_start3A_324 = arith.constant 0 : i32
      %dma_start3A_325 = tpu.memref_slice %arg4[%add3A_310, %dma_start3A_323, %dma_start3A_324] : memref<4096x104x128xf32, #tpu.memory_space<hbm>> -> memref<4x100x32xf32, #tpu.memory_space<hbm>>
      %dma_start3A_326 = arith.constant 0 : i32
      %dma_start3A_327 = arith.constant 0 : i32
      %dma_start3A_328 = arith.constant 0 : i32
      %dma_start3A_329 = tpu.memref_slice %arg6[%dma_start3A_311, %dma_start3A_326, %dma_start3A_327, %dma_start3A_328] : memref<4x4x100x32xf32, #tpu.memory_space<vmem>> -> memref<1x4x100x32xf32, #tpu.memory_space<vmem>>
      %dma_start3A_330 = tpu.memref_squeeze %dma_start3A_329 : memref<1x4x100x32xf32, #tpu.memory_space<vmem>> -> memref<4x100x32xf32, #tpu.memory_space<vmem>>
      tpu.enqueue_dma source(%dma_start3A_330 : memref<4x100x32xf32, #tpu.memory_space<vmem>>) target(%dma_start3A_325 : memref<4x100x32xf32, #tpu.memory_space<hbm>>) target_semaphore(%dma_start3A_322 : memref<!tpu.dma_semaphore, #tpu.memory_space<semaphore_mem>>)
      %add3A_331 = arith.constant 1 : i32
      %add3A_332 = arith.addi %add3A_225, %add3A_331 : i32
      %add3A_333 = arith.constant 2 : i32
      %add3A_334 = arith.addi %add3A_332, %add3A_333 : i32
      %lt3A_335 = arith.constant 32 : i32
      %lt3A_336 = arith.cmpi slt, %add3A_334, %lt3A_335 : i32
      %convert_element_type3A_337 = arith.extui %lt3A_336 : i1 to i32
      %cond3A_338 = arith.constant 0 : i32
      %cond3A_339 = arith.cmpi ne, %convert_element_type3A_337, %cond3A_338 : i32
      scf.if %cond3A_339 {
        %ge3A = arith.constant 4 : i32
        %ge3A_655 = arith.cmpi sge, %add3A_334, %ge3A : i32
        %convert_element_type3A_656 = arith.extui %ge3A_655 : i1 to i32
        %cond3A_657 = arith.constant 0 : i32
        %cond3A_658 = arith.cmpi ne, %convert_element_type3A_656, %cond3A_657 : i32
        scf.if %cond3A_658 {
          %dma_wait3A_735 = arith.constant 3 : i32
          %dma_wait3A_736 = arith.constant 3 : i32
          %dma_wait3A_737 = arith.constant 0 : i32
          %dma_wait3A_738 = arith.constant 0 : i32
          %dma_wait3A_739 = arith.constant 0 : i32
          %dma_wait3A_740 = tpu.memref_slice %arg6[%dma_wait3A_735, %dma_wait3A_737, %dma_wait3A_738, %dma_wait3A_739] : memref<4x4x100x32xf32, #tpu.memory_space<vmem>> -> memref<1x4x100x32xf32, #tpu.memory_space<vmem>>
          %dma_wait3A_741 = tpu.memref_squeeze %dma_wait3A_740 : memref<1x4x100x32xf32, #tpu.memory_space<vmem>> -> memref<4x100x32xf32, #tpu.memory_space<vmem>>
          %dma_wait3A_742 = arith.constant 0 : i32
          %dma_wait3A_743 = arith.constant 0 : i32
          %dma_wait3A_744 = arith.constant 0 : i32
          %dma_wait3A_745 = tpu.memref_slice %arg4[%dma_wait3A_742, %dma_wait3A_743, %dma_wait3A_744] : memref<4096x104x128xf32, #tpu.memory_space<hbm>> -> memref<4x100x32xf32, #tpu.memory_space<hbm>>
          %dma_wait3A_746 = tpu.memref_slice %arg8[%dma_wait3A_736] : memref<4x!tpu.dma_semaphore, #tpu.memory_space<semaphore_mem>> -> memref<1x!tpu.dma_semaphore, #tpu.memory_space<semaphore_mem>>
          %dma_wait3A_747 = tpu.memref_squeeze %dma_wait3A_746 : memref<1x!tpu.dma_semaphore, #tpu.memory_space<semaphore_mem>> -> memref<!tpu.dma_semaphore, #tpu.memory_space<semaphore_mem>>
          %dma_wait3A_748 = arith.constant 0 : i32
          %dma_wait3A_749 = arith.constant 0 : i32
          %dma_wait3A_750 = arith.constant 0 : i32
          %dma_wait3A_751 = tpu.memref_slice %arg4[%dma_wait3A_748, %dma_wait3A_749, %dma_wait3A_750] : memref<4096x104x128xf32, #tpu.memory_space<hbm>> -> memref<4x100x32xf32, #tpu.memory_space<hbm>>
          %dma_wait3A_752 = arith.constant 0 : i32
          %dma_wait3A_753 = arith.constant 0 : i32
          %dma_wait3A_754 = arith.constant 0 : i32
          %dma_wait3A_755 = tpu.memref_slice %arg6[%dma_wait3A_735, %dma_wait3A_752, %dma_wait3A_753, %dma_wait3A_754] : memref<4x4x100x32xf32, #tpu.memory_space<vmem>> -> memref<1x4x100x32xf32, #tpu.memory_space<vmem>>
          %dma_wait3A_756 = tpu.memref_squeeze %dma_wait3A_755 : memref<1x4x100x32xf32, #tpu.memory_space<vmem>> -> memref<4x100x32xf32, #tpu.memory_space<vmem>>
          tpu.wait_dma2 semaphore(%dma_wait3A_747 : memref<!tpu.dma_semaphore, #tpu.memory_space<semaphore_mem>>) src(%dma_wait3A_756 : memref<4x100x32xf32, #tpu.memory_space<vmem>>) dst(%dma_wait3A_751 : memref<4x100x32xf32, #tpu.memory_space<hbm>>)
        } else {
        }
        %mul3A_659 = arith.constant 4 : i32
        %mul3A_660 = arith.muli %add3A_334, %mul3A_659 : i32
        %add3A_661 = arith.constant 0 : i32
        %add3A_662 = arith.addi %mul3A_660, %add3A_661 : i32
        %dma_start3A_663 = arith.constant 3 : i32
        %dma_start3A_664 = arith.constant 0 : i32
        %dma_start3A_665 = arith.constant 3 : i32
        %dma_start3A_666 = arith.constant 0 : i32
        %dma_start3A_667 = arith.constant 0 : i32
        %dma_start3A_668 = tpu.memref_slice %arg6[%dma_start3A_663, %dma_start3A_664, %dma_start3A_666, %dma_start3A_667] : memref<4x4x100x32xf32, #tpu.memory_space<vmem>> -> memref<1x1x100x32xf32, #tpu.memory_space<vmem>>
        %dma_start3A_669 = tpu.memref_squeeze %dma_start3A_668 : memref<1x1x100x32xf32, #tpu.memory_space<vmem>> -> memref<100x32xf32, #tpu.memory_space<vmem>>
        %dma_start3A_670 = arith.constant 0 : i32
        %dma_start3A_671 = tpu.memref_slice %arg5[%add3A_662, %dma_start3A_670] : memref<128x100xi32, #tpu.memory_space<vmem>> -> memref<1x100xi32, #tpu.memory_space<vmem>>
        %dma_start3A_672 = tpu.memref_squeeze %dma_start3A_671 : memref<1x100xi32, #tpu.memory_space<vmem>> -> memref<100xi32, #tpu.memory_space<vmem>>
        %dma_start3A_673 = arith.constant 0 : i32
        %dma_start3A_674 = arith.constant 0 : i32
        %dma_start3A_675 = tpu.memref_slice %arg3[%dma_start3A_673, %dma_start3A_674] : memref<1000000x32xf32, #tpu.memory_space<hbm>> -> memref<1000000x32xf32, #tpu.memory_space<hbm>>
        %dma_start3A_676 = tpu.memref_slice %arg7[%dma_start3A_665] : memref<4x!tpu.dma_semaphore, #tpu.memory_space<semaphore_mem>> -> memref<1x!tpu.dma_semaphore, #tpu.memory_space<semaphore_mem>>
        %dma_start3A_677 = tpu.memref_squeeze %dma_start3A_676 : memref<1x!tpu.dma_semaphore, #tpu.memory_space<semaphore_mem>> -> memref<!tpu.dma_semaphore, #tpu.memory_space<semaphore_mem>>
        tpu.enqueue_indirect_dma source(%dma_start3A_675 : memref<1000000x32xf32, #tpu.memory_space<hbm>>) target(%dma_start3A_669 : memref<100x32xf32, #tpu.memory_space<vmem>>) offsets(%dma_start3A_672 : memref<100xi32, #tpu.memory_space<vmem>>) semaphore(%dma_start3A_677 : memref<!tpu.dma_semaphore, #tpu.memory_space<semaphore_mem>>)
        %mul3A_678 = arith.constant 4 : i32
        %mul3A_679 = arith.muli %add3A_334, %mul3A_678 : i32
        %add3A_680 = arith.constant 1 : i32
        %add3A_681 = arith.addi %mul3A_679, %add3A_680 : i32
        %dma_start3A_682 = arith.constant 3 : i32
        %dma_start3A_683 = arith.constant 1 : i32
        %dma_start3A_684 = arith.constant 3 : i32
        %dma_start3A_685 = arith.constant 0 : i32
        %dma_start3A_686 = arith.constant 0 : i32
        %dma_start3A_687 = tpu.memref_slice %arg6[%dma_start3A_682, %dma_start3A_683, %dma_start3A_685, %dma_start3A_686] : memref<4x4x100x32xf32, #tpu.memory_space<vmem>> -> memref<1x1x100x32xf32, #tpu.memory_space<vmem>>
        %dma_start3A_688 = tpu.memref_squeeze %dma_start3A_687 : memref<1x1x100x32xf32, #tpu.memory_space<vmem>> -> memref<100x32xf32, #tpu.memory_space<vmem>>
        %dma_start3A_689 = arith.constant 0 : i32
        %dma_start3A_690 = tpu.memref_slice %arg5[%add3A_681, %dma_start3A_689] : memref<128x100xi32, #tpu.memory_space<vmem>> -> memref<1x100xi32, #tpu.memory_space<vmem>>
        %dma_start3A_691 = tpu.memref_squeeze %dma_start3A_690 : memref<1x100xi32, #tpu.memory_space<vmem>> -> memref<100xi32, #tpu.memory_space<vmem>>
        %dma_start3A_692 = arith.constant 0 : i32
        %dma_start3A_693 = arith.constant 0 : i32
        %dma_start3A_694 = tpu.memref_slice %arg3[%dma_start3A_692, %dma_start3A_693] : memref<1000000x32xf32, #tpu.memory_space<hbm>> -> memref<1000000x32xf32, #tpu.memory_space<hbm>>
        %dma_start3A_695 = tpu.memref_slice %arg7[%dma_start3A_684] : memref<4x!tpu.dma_semaphore, #tpu.memory_space<semaphore_mem>> -> memref<1x!tpu.dma_semaphore, #tpu.memory_space<semaphore_mem>>
        %dma_start3A_696 = tpu.memref_squeeze %dma_start3A_695 : memref<1x!tpu.dma_semaphore, #tpu.memory_space<semaphore_mem>> -> memref<!tpu.dma_semaphore, #tpu.memory_space<semaphore_mem>>
        tpu.enqueue_indirect_dma source(%dma_start3A_694 : memref<1000000x32xf32, #tpu.memory_space<hbm>>) target(%dma_start3A_688 : memref<100x32xf32, #tpu.memory_space<vmem>>) offsets(%dma_start3A_691 : memref<100xi32, #tpu.memory_space<vmem>>) semaphore(%dma_start3A_696 : memref<!tpu.dma_semaphore, #tpu.memory_space<semaphore_mem>>)
        %mul3A_697 = arith.constant 4 : i32
        %mul3A_698 = arith.muli %add3A_334, %mul3A_697 : i32
        %add3A_699 = arith.constant 2 : i32
        %add3A_700 = arith.addi %mul3A_698, %add3A_699 : i32
        %dma_start3A_701 = arith.constant 3 : i32
        %dma_start3A_702 = arith.constant 2 : i32
        %dma_start3A_703 = arith.constant 3 : i32
        %dma_start3A_704 = arith.constant 0 : i32
        %dma_start3A_705 = arith.constant 0 : i32
        %dma_start3A_706 = tpu.memref_slice %arg6[%dma_start3A_701, %dma_start3A_702, %dma_start3A_704, %dma_start3A_705] : memref<4x4x100x32xf32, #tpu.memory_space<vmem>> -> memref<1x1x100x32xf32, #tpu.memory_space<vmem>>
        %dma_start3A_707 = tpu.memref_squeeze %dma_start3A_706 : memref<1x1x100x32xf32, #tpu.memory_space<vmem>> -> memref<100x32xf32, #tpu.memory_space<vmem>>
        %dma_start3A_708 = arith.constant 0 : i32
        %dma_start3A_709 = tpu.memref_slice %arg5[%add3A_700, %dma_start3A_708] : memref<128x100xi32, #tpu.memory_space<vmem>> -> memref<1x100xi32, #tpu.memory_space<vmem>>
        %dma_start3A_710 = tpu.memref_squeeze %dma_start3A_709 : memref<1x100xi32, #tpu.memory_space<vmem>> -> memref<100xi32, #tpu.memory_space<vmem>>
        %dma_start3A_711 = arith.constant 0 : i32
        %dma_start3A_712 = arith.constant 0 : i32
        %dma_start3A_713 = tpu.memref_slice %arg3[%dma_start3A_711, %dma_start3A_712] : memref<1000000x32xf32, #tpu.memory_space<hbm>> -> memref<1000000x32xf32, #tpu.memory_space<hbm>>
        %dma_start3A_714 = tpu.memref_slice %arg7[%dma_start3A_703] : memref<4x!tpu.dma_semaphore, #tpu.memory_space<semaphore_mem>> -> memref<1x!tpu.dma_semaphore, #tpu.memory_space<semaphore_mem>>
        %dma_start3A_715 = tpu.memref_squeeze %dma_start3A_714 : memref<1x!tpu.dma_semaphore, #tpu.memory_space<semaphore_mem>> -> memref<!tpu.dma_semaphore, #tpu.memory_space<semaphore_mem>>
        tpu.enqueue_indirect_dma source(%dma_start3A_713 : memref<1000000x32xf32, #tpu.memory_space<hbm>>) target(%dma_start3A_707 : memref<100x32xf32, #tpu.memory_space<vmem>>) offsets(%dma_start3A_710 : memref<100xi32, #tpu.memory_space<vmem>>) semaphore(%dma_start3A_715 : memref<!tpu.dma_semaphore, #tpu.memory_space<semaphore_mem>>)
        %mul3A_716 = arith.constant 4 : i32
        %mul3A_717 = arith.muli %add3A_334, %mul3A_716 : i32
        %add3A_718 = arith.constant 3 : i32
        %add3A_719 = arith.addi %mul3A_717, %add3A_718 : i32
        %dma_start3A_720 = arith.constant 3 : i32
        %dma_start3A_721 = arith.constant 3 : i32
        %dma_start3A_722 = arith.constant 3 : i32
        %dma_start3A_723 = arith.constant 0 : i32
        %dma_start3A_724 = arith.constant 0 : i32
        %dma_start3A_725 = tpu.memref_slice %arg6[%dma_start3A_720, %dma_start3A_721, %dma_start3A_723, %dma_start3A_724] : memref<4x4x100x32xf32, #tpu.memory_space<vmem>> -> memref<1x1x100x32xf32, #tpu.memory_space<vmem>>
        %dma_start3A_726 = tpu.memref_squeeze %dma_start3A_725 : memref<1x1x100x32xf32, #tpu.memory_space<vmem>> -> memref<100x32xf32, #tpu.memory_space<vmem>>
        %dma_start3A_727 = arith.constant 0 : i32
        %dma_start3A_728 = tpu.memref_slice %arg5[%add3A_719, %dma_start3A_727] : memref<128x100xi32, #tpu.memory_space<vmem>> -> memref<1x100xi32, #tpu.memory_space<vmem>>
        %dma_start3A_729 = tpu.memref_squeeze %dma_start3A_728 : memref<1x100xi32, #tpu.memory_space<vmem>> -> memref<100xi32, #tpu.memory_space<vmem>>
        %dma_start3A_730 = arith.constant 0 : i32
        %dma_start3A_731 = arith.constant 0 : i32
        %dma_start3A_732 = tpu.memref_slice %arg3[%dma_start3A_730, %dma_start3A_731] : memref<1000000x32xf32, #tpu.memory_space<hbm>> -> memref<1000000x32xf32, #tpu.memory_space<hbm>>
        %dma_start3A_733 = tpu.memref_slice %arg7[%dma_start3A_722] : memref<4x!tpu.dma_semaphore, #tpu.memory_space<semaphore_mem>> -> memref<1x!tpu.dma_semaphore, #tpu.memory_space<semaphore_mem>>
        %dma_start3A_734 = tpu.memref_squeeze %dma_start3A_733 : memref<1x!tpu.dma_semaphore, #tpu.memory_space<semaphore_mem>> -> memref<!tpu.dma_semaphore, #tpu.memory_space<semaphore_mem>>
        tpu.enqueue_indirect_dma source(%dma_start3A_732 : memref<1000000x32xf32, #tpu.memory_space<hbm>>) target(%dma_start3A_726 : memref<100x32xf32, #tpu.memory_space<vmem>>) offsets(%dma_start3A_729 : memref<100xi32, #tpu.memory_space<vmem>>) semaphore(%dma_start3A_734 : memref<!tpu.dma_semaphore, #tpu.memory_space<semaphore_mem>>)
      } else {
      }
      %mul3A_340 = arith.constant 4 : i32
      %mul3A_341 = arith.muli %add3A_332, %mul3A_340 : i32
      %add3A_342 = arith.constant 0 : i32
      %add3A_343 = arith.addi %mul3A_341, %add3A_342 : i32
      %dma_wait3A_344 = arith.constant 1 : i32
      %dma_wait3A_345 = arith.constant 0 : i32
      %dma_wait3A_346 = arith.constant 1 : i32
      %dma_wait3A_347 = arith.constant 0 : i32
      %dma_wait3A_348 = arith.constant 0 : i32
      %dma_wait3A_349 = tpu.memref_slice %arg6[%dma_wait3A_344, %dma_wait3A_345, %dma_wait3A_347, %dma_wait3A_348] : memref<4x4x100x32xf32, #tpu.memory_space<vmem>> -> memref<1x1x100x32xf32, #tpu.memory_space<vmem>>
      %dma_wait3A_350 = tpu.memref_squeeze %dma_wait3A_349 : memref<1x1x100x32xf32, #tpu.memory_space<vmem>> -> memref<100x32xf32, #tpu.memory_space<vmem>>
      %dma_wait3A_351 = arith.constant 0 : i32
      %dma_wait3A_352 = tpu.memref_slice %arg5[%add3A_343, %dma_wait3A_351] : memref<128x100xi32, #tpu.memory_space<vmem>> -> memref<1x100xi32, #tpu.memory_space<vmem>>
      %dma_wait3A_353 = tpu.memref_squeeze %dma_wait3A_352 : memref<1x100xi32, #tpu.memory_space<vmem>> -> memref<100xi32, #tpu.memory_space<vmem>>
      %dma_wait3A_354 = arith.constant 0 : i32
      %dma_wait3A_355 = arith.constant 0 : i32
      %dma_wait3A_356 = tpu.memref_slice %arg3[%dma_wait3A_354, %dma_wait3A_355] : memref<1000000x32xf32, #tpu.memory_space<hbm>> -> memref<1000000x32xf32, #tpu.memory_space<hbm>>
      %dma_wait3A_357 = tpu.memref_slice %arg7[%dma_wait3A_346] : memref<4x!tpu.dma_semaphore, #tpu.memory_space<semaphore_mem>> -> memref<1x!tpu.dma_semaphore, #tpu.memory_space<semaphore_mem>>
      %dma_wait3A_358 = tpu.memref_squeeze %dma_wait3A_357 : memref<1x!tpu.dma_semaphore, #tpu.memory_space<semaphore_mem>> -> memref<!tpu.dma_semaphore, #tpu.memory_space<semaphore_mem>>
      tpu.wait_indirect_dma semaphore(%dma_wait3A_358 : memref<!tpu.dma_semaphore, #tpu.memory_space<semaphore_mem>>) src(%dma_wait3A_356 : memref<1000000x32xf32, #tpu.memory_space<hbm>>) dst(%dma_wait3A_350 : memref<100x32xf32, #tpu.memory_space<vmem>>)
      %mul3A_359 = arith.constant 4 : i32
      %mul3A_360 = arith.muli %add3A_332, %mul3A_359 : i32
      %add3A_361 = arith.constant 1 : i32
      %add3A_362 = arith.addi %mul3A_360, %add3A_361 : i32
      %dma_wait3A_363 = arith.constant 1 : i32
      %dma_wait3A_364 = arith.constant 1 : i32
      %dma_wait3A_365 = arith.constant 1 : i32
      %dma_wait3A_366 = arith.constant 0 : i32
      %dma_wait3A_367 = arith.constant 0 : i32
      %dma_wait3A_368 = tpu.memref_slice %arg6[%dma_wait3A_363, %dma_wait3A_364, %dma_wait3A_366, %dma_wait3A_367] : memref<4x4x100x32xf32, #tpu.memory_space<vmem>> -> memref<1x1x100x32xf32, #tpu.memory_space<vmem>>
      %dma_wait3A_369 = tpu.memref_squeeze %dma_wait3A_368 : memref<1x1x100x32xf32, #tpu.memory_space<vmem>> -> memref<100x32xf32, #tpu.memory_space<vmem>>
      %dma_wait3A_370 = arith.constant 0 : i32
      %dma_wait3A_371 = tpu.memref_slice %arg5[%add3A_362, %dma_wait3A_370] : memref<128x100xi32, #tpu.memory_space<vmem>> -> memref<1x100xi32, #tpu.memory_space<vmem>>
      %dma_wait3A_372 = tpu.memref_squeeze %dma_wait3A_371 : memref<1x100xi32, #tpu.memory_space<vmem>> -> memref<100xi32, #tpu.memory_space<vmem>>
      %dma_wait3A_373 = arith.constant 0 : i32
      %dma_wait3A_374 = arith.constant 0 : i32
      %dma_wait3A_375 = tpu.memref_slice %arg3[%dma_wait3A_373, %dma_wait3A_374] : memref<1000000x32xf32, #tpu.memory_space<hbm>> -> memref<1000000x32xf32, #tpu.memory_space<hbm>>
      %dma_wait3A_376 = tpu.memref_slice %arg7[%dma_wait3A_365] : memref<4x!tpu.dma_semaphore, #tpu.memory_space<semaphore_mem>> -> memref<1x!tpu.dma_semaphore, #tpu.memory_space<semaphore_mem>>
      %dma_wait3A_377 = tpu.memref_squeeze %dma_wait3A_376 : memref<1x!tpu.dma_semaphore, #tpu.memory_space<semaphore_mem>> -> memref<!tpu.dma_semaphore, #tpu.memory_space<semaphore_mem>>
      tpu.wait_indirect_dma semaphore(%dma_wait3A_377 : memref<!tpu.dma_semaphore, #tpu.memory_space<semaphore_mem>>) src(%dma_wait3A_375 : memref<1000000x32xf32, #tpu.memory_space<hbm>>) dst(%dma_wait3A_369 : memref<100x32xf32, #tpu.memory_space<vmem>>)
      %mul3A_378 = arith.constant 4 : i32
      %mul3A_379 = arith.muli %add3A_332, %mul3A_378 : i32
      %add3A_380 = arith.constant 2 : i32
      %add3A_381 = arith.addi %mul3A_379, %add3A_380 : i32
      %dma_wait3A_382 = arith.constant 1 : i32
      %dma_wait3A_383 = arith.constant 2 : i32
      %dma_wait3A_384 = arith.constant 1 : i32
      %dma_wait3A_385 = arith.constant 0 : i32
      %dma_wait3A_386 = arith.constant 0 : i32
      %dma_wait3A_387 = tpu.memref_slice %arg6[%dma_wait3A_382, %dma_wait3A_383, %dma_wait3A_385, %dma_wait3A_386] : memref<4x4x100x32xf32, #tpu.memory_space<vmem>> -> memref<1x1x100x32xf32, #tpu.memory_space<vmem>>
      %dma_wait3A_388 = tpu.memref_squeeze %dma_wait3A_387 : memref<1x1x100x32xf32, #tpu.memory_space<vmem>> -> memref<100x32xf32, #tpu.memory_space<vmem>>
      %dma_wait3A_389 = arith.constant 0 : i32
      %dma_wait3A_390 = tpu.memref_slice %arg5[%add3A_381, %dma_wait3A_389] : memref<128x100xi32, #tpu.memory_space<vmem>> -> memref<1x100xi32, #tpu.memory_space<vmem>>
      %dma_wait3A_391 = tpu.memref_squeeze %dma_wait3A_390 : memref<1x100xi32, #tpu.memory_space<vmem>> -> memref<100xi32, #tpu.memory_space<vmem>>
      %dma_wait3A_392 = arith.constant 0 : i32
      %dma_wait3A_393 = arith.constant 0 : i32
      %dma_wait3A_394 = tpu.memref_slice %arg3[%dma_wait3A_392, %dma_wait3A_393] : memref<1000000x32xf32, #tpu.memory_space<hbm>> -> memref<1000000x32xf32, #tpu.memory_space<hbm>>
      %dma_wait3A_395 = tpu.memref_slice %arg7[%dma_wait3A_384] : memref<4x!tpu.dma_semaphore, #tpu.memory_space<semaphore_mem>> -> memref<1x!tpu.dma_semaphore, #tpu.memory_space<semaphore_mem>>
      %dma_wait3A_396 = tpu.memref_squeeze %dma_wait3A_395 : memref<1x!tpu.dma_semaphore, #tpu.memory_space<semaphore_mem>> -> memref<!tpu.dma_semaphore, #tpu.memory_space<semaphore_mem>>
      tpu.wait_indirect_dma semaphore(%dma_wait3A_396 : memref<!tpu.dma_semaphore, #tpu.memory_space<semaphore_mem>>) src(%dma_wait3A_394 : memref<1000000x32xf32, #tpu.memory_space<hbm>>) dst(%dma_wait3A_388 : memref<100x32xf32, #tpu.memory_space<vmem>>)
      %mul3A_397 = arith.constant 4 : i32
      %mul3A_398 = arith.muli %add3A_332, %mul3A_397 : i32
      %add3A_399 = arith.constant 3 : i32
      %add3A_400 = arith.addi %mul3A_398, %add3A_399 : i32
      %dma_wait3A_401 = arith.constant 1 : i32
      %dma_wait3A_402 = arith.constant 3 : i32
      %dma_wait3A_403 = arith.constant 1 : i32
      %dma_wait3A_404 = arith.constant 0 : i32
      %dma_wait3A_405 = arith.constant 0 : i32
      %dma_wait3A_406 = tpu.memref_slice %arg6[%dma_wait3A_401, %dma_wait3A_402, %dma_wait3A_404, %dma_wait3A_405] : memref<4x4x100x32xf32, #tpu.memory_space<vmem>> -> memref<1x1x100x32xf32, #tpu.memory_space<vmem>>
      %dma_wait3A_407 = tpu.memref_squeeze %dma_wait3A_406 : memref<1x1x100x32xf32, #tpu.memory_space<vmem>> -> memref<100x32xf32, #tpu.memory_space<vmem>>
      %dma_wait3A_408 = arith.constant 0 : i32
      %dma_wait3A_409 = tpu.memref_slice %arg5[%add3A_400, %dma_wait3A_408] : memref<128x100xi32, #tpu.memory_space<vmem>> -> memref<1x100xi32, #tpu.memory_space<vmem>>
      %dma_wait3A_410 = tpu.memref_squeeze %dma_wait3A_409 : memref<1x100xi32, #tpu.memory_space<vmem>> -> memref<100xi32, #tpu.memory_space<vmem>>
      %dma_wait3A_411 = arith.constant 0 : i32
      %dma_wait3A_412 = arith.constant 0 : i32
      %dma_wait3A_413 = tpu.memref_slice %arg3[%dma_wait3A_411, %dma_wait3A_412] : memref<1000000x32xf32, #tpu.memory_space<hbm>> -> memref<1000000x32xf32, #tpu.memory_space<hbm>>
      %dma_wait3A_414 = tpu.memref_slice %arg7[%dma_wait3A_403] : memref<4x!tpu.dma_semaphore, #tpu.memory_space<semaphore_mem>> -> memref<1x!tpu.dma_semaphore, #tpu.memory_space<semaphore_mem>>
      %dma_wait3A_415 = tpu.memref_squeeze %dma_wait3A_414 : memref<1x!tpu.dma_semaphore, #tpu.memory_space<semaphore_mem>> -> memref<!tpu.dma_semaphore, #tpu.memory_space<semaphore_mem>>
      tpu.wait_indirect_dma semaphore(%dma_wait3A_415 : memref<!tpu.dma_semaphore, #tpu.memory_space<semaphore_mem>>) src(%dma_wait3A_413 : memref<1000000x32xf32, #tpu.memory_space<hbm>>) dst(%dma_wait3A_407 : memref<100x32xf32, #tpu.memory_space<vmem>>)
      %mul3A_416 = arith.constant 4 : i32
      %mul3A_417 = arith.muli %add3A_332, %mul3A_416 : i32
      %add3A_418 = arith.addi %mul3A_2, %mul3A_417 : i32
      %dma_start3A_419 = arith.constant 1 : i32
      %dma_start3A_420 = arith.constant 1 : i32
      %dma_start3A_421 = arith.constant 0 : i32
      %dma_start3A_422 = arith.constant 0 : i32
      %dma_start3A_423 = arith.constant 0 : i32
      %dma_start3A_424 = tpu.memref_slice %arg6[%dma_start3A_419, %dma_start3A_421, %dma_start3A_422, %dma_start3A_423] : memref<4x4x100x32xf32, #tpu.memory_space<vmem>> -> memref<1x4x100x32xf32, #tpu.memory_space<vmem>>
      %dma_start3A_425 = tpu.memref_squeeze %dma_start3A_424 : memref<1x4x100x32xf32, #tpu.memory_space<vmem>> -> memref<4x100x32xf32, #tpu.memory_space<vmem>>
      %dma_start3A_426 = arith.constant 0 : i32
      %dma_start3A_427 = arith.constant 0 : i32
      %dma_start3A_428 = tpu.memref_slice %arg4[%add3A_418, %dma_start3A_426, %dma_start3A_427] : memref<4096x104x128xf32, #tpu.memory_space<hbm>> -> memref<4x100x32xf32, #tpu.memory_space<hbm>>
      %dma_start3A_429 = tpu.memref_slice %arg8[%dma_start3A_420] : memref<4x!tpu.dma_semaphore, #tpu.memory_space<semaphore_mem>> -> memref<1x!tpu.dma_semaphore, #tpu.memory_space<semaphore_mem>>
      %dma_start3A_430 = tpu.memref_squeeze %dma_start3A_429 : memref<1x!tpu.dma_semaphore, #tpu.memory_space<semaphore_mem>> -> memref<!tpu.dma_semaphore, #tpu.memory_space<semaphore_mem>>
      %dma_start3A_431 = arith.constant 0 : i32
      %dma_start3A_432 = arith.constant 0 : i32
      %dma_start3A_433 = tpu.memref_slice %arg4[%add3A_418, %dma_start3A_431, %dma_start3A_432] : memref<4096x104x128xf32, #tpu.memory_space<hbm>> -> memref<4x100x32xf32, #tpu.memory_space<hbm>>
      %dma_start3A_434 = arith.constant 0 : i32
      %dma_start3A_435 = arith.constant 0 : i32
      %dma_start3A_436 = arith.constant 0 : i32
      %dma_start3A_437 = tpu.memref_slice %arg6[%dma_start3A_419, %dma_start3A_434, %dma_start3A_435, %dma_start3A_436] : memref<4x4x100x32xf32, #tpu.memory_space<vmem>> -> memref<1x4x100x32xf32, #tpu.memory_space<vmem>>
      %dma_start3A_438 = tpu.memref_squeeze %dma_start3A_437 : memref<1x4x100x32xf32, #tpu.memory_space<vmem>> -> memref<4x100x32xf32, #tpu.memory_space<vmem>>
      tpu.enqueue_dma source(%dma_start3A_438 : memref<4x100x32xf32, #tpu.memory_space<vmem>>) target(%dma_start3A_433 : memref<4x100x32xf32, #tpu.memory_space<hbm>>) target_semaphore(%dma_start3A_430 : memref<!tpu.dma_semaphore, #tpu.memory_space<semaphore_mem>>)
      %add3A_439 = arith.constant 2 : i32
      %add3A_440 = arith.addi %add3A_225, %add3A_439 : i32
      %add3A_441 = arith.constant 2 : i32
      %add3A_442 = arith.addi %add3A_440, %add3A_441 : i32
      %lt3A_443 = arith.constant 32 : i32
      %lt3A_444 = arith.cmpi slt, %add3A_442, %lt3A_443 : i32
      %convert_element_type3A_445 = arith.extui %lt3A_444 : i1 to i32
      %cond3A_446 = arith.constant 0 : i32
      %cond3A_447 = arith.cmpi ne, %convert_element_type3A_445, %cond3A_446 : i32
      scf.if %cond3A_447 {
        %ge3A = arith.constant 4 : i32
        %ge3A_655 = arith.cmpi sge, %add3A_442, %ge3A : i32
        %convert_element_type3A_656 = arith.extui %ge3A_655 : i1 to i32
        %cond3A_657 = arith.constant 0 : i32
        %cond3A_658 = arith.cmpi ne, %convert_element_type3A_656, %cond3A_657 : i32
        scf.if %cond3A_658 {
          %dma_wait3A_735 = arith.constant 0 : i32
          %dma_wait3A_736 = arith.constant 0 : i32
          %dma_wait3A_737 = arith.constant 0 : i32
          %dma_wait3A_738 = arith.constant 0 : i32
          %dma_wait3A_739 = arith.constant 0 : i32
          %dma_wait3A_740 = tpu.memref_slice %arg6[%dma_wait3A_735, %dma_wait3A_737, %dma_wait3A_738, %dma_wait3A_739] : memref<4x4x100x32xf32, #tpu.memory_space<vmem>> -> memref<1x4x100x32xf32, #tpu.memory_space<vmem>>
          %dma_wait3A_741 = tpu.memref_squeeze %dma_wait3A_740 : memref<1x4x100x32xf32, #tpu.memory_space<vmem>> -> memref<4x100x32xf32, #tpu.memory_space<vmem>>
          %dma_wait3A_742 = arith.constant 0 : i32
          %dma_wait3A_743 = arith.constant 0 : i32
          %dma_wait3A_744 = arith.constant 0 : i32
          %dma_wait3A_745 = tpu.memref_slice %arg4[%dma_wait3A_742, %dma_wait3A_743, %dma_wait3A_744] : memref<4096x104x128xf32, #tpu.memory_space<hbm>> -> memref<4x100x32xf32, #tpu.memory_space<hbm>>
          %dma_wait3A_746 = tpu.memref_slice %arg8[%dma_wait3A_736] : memref<4x!tpu.dma_semaphore, #tpu.memory_space<semaphore_mem>> -> memref<1x!tpu.dma_semaphore, #tpu.memory_space<semaphore_mem>>
          %dma_wait3A_747 = tpu.memref_squeeze %dma_wait3A_746 : memref<1x!tpu.dma_semaphore, #tpu.memory_space<semaphore_mem>> -> memref<!tpu.dma_semaphore, #tpu.memory_space<semaphore_mem>>
          %dma_wait3A_748 = arith.constant 0 : i32
          %dma_wait3A_749 = arith.constant 0 : i32
          %dma_wait3A_750 = arith.constant 0 : i32
          %dma_wait3A_751 = tpu.memref_slice %arg4[%dma_wait3A_748, %dma_wait3A_749, %dma_wait3A_750] : memref<4096x104x128xf32, #tpu.memory_space<hbm>> -> memref<4x100x32xf32, #tpu.memory_space<hbm>>
          %dma_wait3A_752 = arith.constant 0 : i32
          %dma_wait3A_753 = arith.constant 0 : i32
          %dma_wait3A_754 = arith.constant 0 : i32
          %dma_wait3A_755 = tpu.memref_slice %arg6[%dma_wait3A_735, %dma_wait3A_752, %dma_wait3A_753, %dma_wait3A_754] : memref<4x4x100x32xf32, #tpu.memory_space<vmem>> -> memref<1x4x100x32xf32, #tpu.memory_space<vmem>>
          %dma_wait3A_756 = tpu.memref_squeeze %dma_wait3A_755 : memref<1x4x100x32xf32, #tpu.memory_space<vmem>> -> memref<4x100x32xf32, #tpu.memory_space<vmem>>
          tpu.wait_dma2 semaphore(%dma_wait3A_747 : memref<!tpu.dma_semaphore, #tpu.memory_space<semaphore_mem>>) src(%dma_wait3A_756 : memref<4x100x32xf32, #tpu.memory_space<vmem>>) dst(%dma_wait3A_751 : memref<4x100x32xf32, #tpu.memory_space<hbm>>)
        } else {
        }
        %mul3A_659 = arith.constant 4 : i32
        %mul3A_660 = arith.muli %add3A_442, %mul3A_659 : i32
        %add3A_661 = arith.constant 0 : i32
        %add3A_662 = arith.addi %mul3A_660, %add3A_661 : i32
        %dma_start3A_663 = arith.constant 0 : i32
        %dma_start3A_664 = arith.constant 0 : i32
        %dma_start3A_665 = arith.constant 0 : i32
        %dma_start3A_666 = arith.constant 0 : i32
        %dma_start3A_667 = arith.constant 0 : i32
        %dma_start3A_668 = tpu.memref_slice %arg6[%dma_start3A_663, %dma_start3A_664, %dma_start3A_666, %dma_start3A_667] : memref<4x4x100x32xf32, #tpu.memory_space<vmem>> -> memref<1x1x100x32xf32, #tpu.memory_space<vmem>>
        %dma_start3A_669 = tpu.memref_squeeze %dma_start3A_668 : memref<1x1x100x32xf32, #tpu.memory_space<vmem>> -> memref<100x32xf32, #tpu.memory_space<vmem>>
        %dma_start3A_670 = arith.constant 0 : i32
        %dma_start3A_671 = tpu.memref_slice %arg5[%add3A_662, %dma_start3A_670] : memref<128x100xi32, #tpu.memory_space<vmem>> -> memref<1x100xi32, #tpu.memory_space<vmem>>
        %dma_start3A_672 = tpu.memref_squeeze %dma_start3A_671 : memref<1x100xi32, #tpu.memory_space<vmem>> -> memref<100xi32, #tpu.memory_space<vmem>>
        %dma_start3A_673 = arith.constant 0 : i32
        %dma_start3A_674 = arith.constant 0 : i32
        %dma_start3A_675 = tpu.memref_slice %arg3[%dma_start3A_673, %dma_start3A_674] : memref<1000000x32xf32, #tpu.memory_space<hbm>> -> memref<1000000x32xf32, #tpu.memory_space<hbm>>
        %dma_start3A_676 = tpu.memref_slice %arg7[%dma_start3A_665] : memref<4x!tpu.dma_semaphore, #tpu.memory_space<semaphore_mem>> -> memref<1x!tpu.dma_semaphore, #tpu.memory_space<semaphore_mem>>
        %dma_start3A_677 = tpu.memref_squeeze %dma_start3A_676 : memref<1x!tpu.dma_semaphore, #tpu.memory_space<semaphore_mem>> -> memref<!tpu.dma_semaphore, #tpu.memory_space<semaphore_mem>>
        tpu.enqueue_indirect_dma source(%dma_start3A_675 : memref<1000000x32xf32, #tpu.memory_space<hbm>>) target(%dma_start3A_669 : memref<100x32xf32, #tpu.memory_space<vmem>>) offsets(%dma_start3A_672 : memref<100xi32, #tpu.memory_space<vmem>>) semaphore(%dma_start3A_677 : memref<!tpu.dma_semaphore, #tpu.memory_space<semaphore_mem>>)
        %mul3A_678 = arith.constant 4 : i32
        %mul3A_679 = arith.muli %add3A_442, %mul3A_678 : i32
        %add3A_680 = arith.constant 1 : i32
        %add3A_681 = arith.addi %mul3A_679, %add3A_680 : i32
        %dma_start3A_682 = arith.constant 0 : i32
        %dma_start3A_683 = arith.constant 1 : i32
        %dma_start3A_684 = arith.constant 0 : i32
        %dma_start3A_685 = arith.constant 0 : i32
        %dma_start3A_686 = arith.constant 0 : i32
        %dma_start3A_687 = tpu.memref_slice %arg6[%dma_start3A_682, %dma_start3A_683, %dma_start3A_685, %dma_start3A_686] : memref<4x4x100x32xf32, #tpu.memory_space<vmem>> -> memref<1x1x100x32xf32, #tpu.memory_space<vmem>>
        %dma_start3A_688 = tpu.memref_squeeze %dma_start3A_687 : memref<1x1x100x32xf32, #tpu.memory_space<vmem>> -> memref<100x32xf32, #tpu.memory_space<vmem>>
        %dma_start3A_689 = arith.constant 0 : i32
        %dma_start3A_690 = tpu.memref_slice %arg5[%add3A_681, %dma_start3A_689] : memref<128x100xi32, #tpu.memory_space<vmem>> -> memref<1x100xi32, #tpu.memory_space<vmem>>
        %dma_start3A_691 = tpu.memref_squeeze %dma_start3A_690 : memref<1x100xi32, #tpu.memory_space<vmem>> -> memref<100xi32, #tpu.memory_space<vmem>>
        %dma_start3A_692 = arith.constant 0 : i32
        %dma_start3A_693 = arith.constant 0 : i32
        %dma_start3A_694 = tpu.memref_slice %arg3[%dma_start3A_692, %dma_start3A_693] : memref<1000000x32xf32, #tpu.memory_space<hbm>> -> memref<1000000x32xf32, #tpu.memory_space<hbm>>
        %dma_start3A_695 = tpu.memref_slice %arg7[%dma_start3A_684] : memref<4x!tpu.dma_semaphore, #tpu.memory_space<semaphore_mem>> -> memref<1x!tpu.dma_semaphore, #tpu.memory_space<semaphore_mem>>
        %dma_start3A_696 = tpu.memref_squeeze %dma_start3A_695 : memref<1x!tpu.dma_semaphore, #tpu.memory_space<semaphore_mem>> -> memref<!tpu.dma_semaphore, #tpu.memory_space<semaphore_mem>>
        tpu.enqueue_indirect_dma source(%dma_start3A_694 : memref<1000000x32xf32, #tpu.memory_space<hbm>>) target(%dma_start3A_688 : memref<100x32xf32, #tpu.memory_space<vmem>>) offsets(%dma_start3A_691 : memref<100xi32, #tpu.memory_space<vmem>>) semaphore(%dma_start3A_696 : memref<!tpu.dma_semaphore, #tpu.memory_space<semaphore_mem>>)
        %mul3A_697 = arith.constant 4 : i32
        %mul3A_698 = arith.muli %add3A_442, %mul3A_697 : i32
        %add3A_699 = arith.constant 2 : i32
        %add3A_700 = arith.addi %mul3A_698, %add3A_699 : i32
        %dma_start3A_701 = arith.constant 0 : i32
        %dma_start3A_702 = arith.constant 2 : i32
        %dma_start3A_703 = arith.constant 0 : i32
        %dma_start3A_704 = arith.constant 0 : i32
        %dma_start3A_705 = arith.constant 0 : i32
        %dma_start3A_706 = tpu.memref_slice %arg6[%dma_start3A_701, %dma_start3A_702, %dma_start3A_704, %dma_start3A_705] : memref<4x4x100x32xf32, #tpu.memory_space<vmem>> -> memref<1x1x100x32xf32, #tpu.memory_space<vmem>>
        %dma_start3A_707 = tpu.memref_squeeze %dma_start3A_706 : memref<1x1x100x32xf32, #tpu.memory_space<vmem>> -> memref<100x32xf32, #tpu.memory_space<vmem>>
        %dma_start3A_708 = arith.constant 0 : i32
        %dma_start3A_709 = tpu.memref_slice %arg5[%add3A_700, %dma_start3A_708] : memref<128x100xi32, #tpu.memory_space<vmem>> -> memref<1x100xi32, #tpu.memory_space<vmem>>
        %dma_start3A_710 = tpu.memref_squeeze %dma_start3A_709 : memref<1x100xi32, #tpu.memory_space<vmem>> -> memref<100xi32, #tpu.memory_space<vmem>>
        %dma_start3A_711 = arith.constant 0 : i32
        %dma_start3A_712 = arith.constant 0 : i32
        %dma_start3A_713 = tpu.memref_slice %arg3[%dma_start3A_711, %dma_start3A_712] : memref<1000000x32xf32, #tpu.memory_space<hbm>> -> memref<1000000x32xf32, #tpu.memory_space<hbm>>
        %dma_start3A_714 = tpu.memref_slice %arg7[%dma_start3A_703] : memref<4x!tpu.dma_semaphore, #tpu.memory_space<semaphore_mem>> -> memref<1x!tpu.dma_semaphore, #tpu.memory_space<semaphore_mem>>
        %dma_start3A_715 = tpu.memref_squeeze %dma_start3A_714 : memref<1x!tpu.dma_semaphore, #tpu.memory_space<semaphore_mem>> -> memref<!tpu.dma_semaphore, #tpu.memory_space<semaphore_mem>>
        tpu.enqueue_indirect_dma source(%dma_start3A_713 : memref<1000000x32xf32, #tpu.memory_space<hbm>>) target(%dma_start3A_707 : memref<100x32xf32, #tpu.memory_space<vmem>>) offsets(%dma_start3A_710 : memref<100xi32, #tpu.memory_space<vmem>>) semaphore(%dma_start3A_715 : memref<!tpu.dma_semaphore, #tpu.memory_space<semaphore_mem>>)
        %mul3A_716 = arith.constant 4 : i32
        %mul3A_717 = arith.muli %add3A_442, %mul3A_716 : i32
        %add3A_718 = arith.constant 3 : i32
        %add3A_719 = arith.addi %mul3A_717, %add3A_718 : i32
        %dma_start3A_720 = arith.constant 0 : i32
        %dma_start3A_721 = arith.constant 3 : i32
        %dma_start3A_722 = arith.constant 0 : i32
        %dma_start3A_723 = arith.constant 0 : i32
        %dma_start3A_724 = arith.constant 0 : i32
        %dma_start3A_725 = tpu.memref_slice %arg6[%dma_start3A_720, %dma_start3A_721, %dma_start3A_723, %dma_start3A_724] : memref<4x4x100x32xf32, #tpu.memory_space<vmem>> -> memref<1x1x100x32xf32, #tpu.memory_space<vmem>>
        %dma_start3A_726 = tpu.memref_squeeze %dma_start3A_725 : memref<1x1x100x32xf32, #tpu.memory_space<vmem>> -> memref<100x32xf32, #tpu.memory_space<vmem>>
        %dma_start3A_727 = arith.constant 0 : i32
        %dma_start3A_728 = tpu.memref_slice %arg5[%add3A_719, %dma_start3A_727] : memref<128x100xi32, #tpu.memory_space<vmem>> -> memref<1x100xi32, #tpu.memory_space<vmem>>
        %dma_start3A_729 = tpu.memref_squeeze %dma_start3A_728 : memref<1x100xi32, #tpu.memory_space<vmem>> -> memref<100xi32, #tpu.memory_space<vmem>>
        %dma_start3A_730 = arith.constant 0 : i32
        %dma_start3A_731 = arith.constant 0 : i32
        %dma_start3A_732 = tpu.memref_slice %arg3[%dma_start3A_730, %dma_start3A_731] : memref<1000000x32xf32, #tpu.memory_space<hbm>> -> memref<1000000x32xf32, #tpu.memory_space<hbm>>
        %dma_start3A_733 = tpu.memref_slice %arg7[%dma_start3A_722] : memref<4x!tpu.dma_semaphore, #tpu.memory_space<semaphore_mem>> -> memref<1x!tpu.dma_semaphore, #tpu.memory_space<semaphore_mem>>
        %dma_start3A_734 = tpu.memref_squeeze %dma_start3A_733 : memref<1x!tpu.dma_semaphore, #tpu.memory_space<semaphore_mem>> -> memref<!tpu.dma_semaphore, #tpu.memory_space<semaphore_mem>>
        tpu.enqueue_indirect_dma source(%dma_start3A_732 : memref<1000000x32xf32, #tpu.memory_space<hbm>>) target(%dma_start3A_726 : memref<100x32xf32, #tpu.memory_space<vmem>>) offsets(%dma_start3A_729 : memref<100xi32, #tpu.memory_space<vmem>>) semaphore(%dma_start3A_734 : memref<!tpu.dma_semaphore, #tpu.memory_space<semaphore_mem>>)
      } else {
      }
      %mul3A_448 = arith.constant 4 : i32
      %mul3A_449 = arith.muli %add3A_440, %mul3A_448 : i32
      %add3A_450 = arith.constant 0 : i32
      %add3A_451 = arith.addi %mul3A_449, %add3A_450 : i32
      %dma_wait3A_452 = arith.constant 2 : i32
      %dma_wait3A_453 = arith.constant 0 : i32
      %dma_wait3A_454 = arith.constant 2 : i32
      %dma_wait3A_455 = arith.constant 0 : i32
      %dma_wait3A_456 = arith.constant 0 : i32
      %dma_wait3A_457 = tpu.memref_slice %arg6[%dma_wait3A_452, %dma_wait3A_453, %dma_wait3A_455, %dma_wait3A_456] : memref<4x4x100x32xf32, #tpu.memory_space<vmem>> -> memref<1x1x100x32xf32, #tpu.memory_space<vmem>>
      %dma_wait3A_458 = tpu.memref_squeeze %dma_wait3A_457 : memref<1x1x100x32xf32, #tpu.memory_space<vmem>> -> memref<100x32xf32, #tpu.memory_space<vmem>>
      %dma_wait3A_459 = arith.constant 0 : i32
      %dma_wait3A_460 = tpu.memref_slice %arg5[%add3A_451, %dma_wait3A_459] : memref<128x100xi32, #tpu.memory_space<vmem>> -> memref<1x100xi32, #tpu.memory_space<vmem>>
      %dma_wait3A_461 = tpu.memref_squeeze %dma_wait3A_460 : memref<1x100xi32, #tpu.memory_space<vmem>> -> memref<100xi32, #tpu.memory_space<vmem>>
      %dma_wait3A_462 = arith.constant 0 : i32
      %dma_wait3A_463 = arith.constant 0 : i32
      %dma_wait3A_464 = tpu.memref_slice %arg3[%dma_wait3A_462, %dma_wait3A_463] : memref<1000000x32xf32, #tpu.memory_space<hbm>> -> memref<1000000x32xf32, #tpu.memory_space<hbm>>
      %dma_wait3A_465 = tpu.memref_slice %arg7[%dma_wait3A_454] : memref<4x!tpu.dma_semaphore, #tpu.memory_space<semaphore_mem>> -> memref<1x!tpu.dma_semaphore, #tpu.memory_space<semaphore_mem>>
      %dma_wait3A_466 = tpu.memref_squeeze %dma_wait3A_465 : memref<1x!tpu.dma_semaphore, #tpu.memory_space<semaphore_mem>> -> memref<!tpu.dma_semaphore, #tpu.memory_space<semaphore_mem>>
      tpu.wait_indirect_dma semaphore(%dma_wait3A_466 : memref<!tpu.dma_semaphore, #tpu.memory_space<semaphore_mem>>) src(%dma_wait3A_464 : memref<1000000x32xf32, #tpu.memory_space<hbm>>) dst(%dma_wait3A_458 : memref<100x32xf32, #tpu.memory_space<vmem>>)
      %mul3A_467 = arith.constant 4 : i32
      %mul3A_468 = arith.muli %add3A_440, %mul3A_467 : i32
      %add3A_469 = arith.constant 1 : i32
      %add3A_470 = arith.addi %mul3A_468, %add3A_469 : i32
      %dma_wait3A_471 = arith.constant 2 : i32
      %dma_wait3A_472 = arith.constant 1 : i32
      %dma_wait3A_473 = arith.constant 2 : i32
      %dma_wait3A_474 = arith.constant 0 : i32
      %dma_wait3A_475 = arith.constant 0 : i32
      %dma_wait3A_476 = tpu.memref_slice %arg6[%dma_wait3A_471, %dma_wait3A_472, %dma_wait3A_474, %dma_wait3A_475] : memref<4x4x100x32xf32, #tpu.memory_space<vmem>> -> memref<1x1x100x32xf32, #tpu.memory_space<vmem>>
      %dma_wait3A_477 = tpu.memref_squeeze %dma_wait3A_476 : memref<1x1x100x32xf32, #tpu.memory_space<vmem>> -> memref<100x32xf32, #tpu.memory_space<vmem>>
      %dma_wait3A_478 = arith.constant 0 : i32
      %dma_wait3A_479 = tpu.memref_slice %arg5[%add3A_470, %dma_wait3A_478] : memref<128x100xi32, #tpu.memory_space<vmem>> -> memref<1x100xi32, #tpu.memory_space<vmem>>
      %dma_wait3A_480 = tpu.memref_squeeze %dma_wait3A_479 : memref<1x100xi32, #tpu.memory_space<vmem>> -> memref<100xi32, #tpu.memory_space<vmem>>
      %dma_wait3A_481 = arith.constant 0 : i32
      %dma_wait3A_482 = arith.constant 0 : i32
      %dma_wait3A_483 = tpu.memref_slice %arg3[%dma_wait3A_481, %dma_wait3A_482] : memref<1000000x32xf32, #tpu.memory_space<hbm>> -> memref<1000000x32xf32, #tpu.memory_space<hbm>>
      %dma_wait3A_484 = tpu.memref_slice %arg7[%dma_wait3A_473] : memref<4x!tpu.dma_semaphore, #tpu.memory_space<semaphore_mem>> -> memref<1x!tpu.dma_semaphore, #tpu.memory_space<semaphore_mem>>
      %dma_wait3A_485 = tpu.memref_squeeze %dma_wait3A_484 : memref<1x!tpu.dma_semaphore, #tpu.memory_space<semaphore_mem>> -> memref<!tpu.dma_semaphore, #tpu.memory_space<semaphore_mem>>
      tpu.wait_indirect_dma semaphore(%dma_wait3A_485 : memref<!tpu.dma_semaphore, #tpu.memory_space<semaphore_mem>>) src(%dma_wait3A_483 : memref<1000000x32xf32, #tpu.memory_space<hbm>>) dst(%dma_wait3A_477 : memref<100x32xf32, #tpu.memory_space<vmem>>)
      %mul3A_486 = arith.constant 4 : i32
      %mul3A_487 = arith.muli %add3A_440, %mul3A_486 : i32
      %add3A_488 = arith.constant 2 : i32
      %add3A_489 = arith.addi %mul3A_487, %add3A_488 : i32
      %dma_wait3A_490 = arith.constant 2 : i32
      %dma_wait3A_491 = arith.constant 2 : i32
      %dma_wait3A_492 = arith.constant 2 : i32
      %dma_wait3A_493 = arith.constant 0 : i32
      %dma_wait3A_494 = arith.constant 0 : i32
      %dma_wait3A_495 = tpu.memref_slice %arg6[%dma_wait3A_490, %dma_wait3A_491, %dma_wait3A_493, %dma_wait3A_494] : memref<4x4x100x32xf32, #tpu.memory_space<vmem>> -> memref<1x1x100x32xf32, #tpu.memory_space<vmem>>
      %dma_wait3A_496 = tpu.memref_squeeze %dma_wait3A_495 : memref<1x1x100x32xf32, #tpu.memory_space<vmem>> -> memref<100x32xf32, #tpu.memory_space<vmem>>
      %dma_wait3A_497 = arith.constant 0 : i32
      %dma_wait3A_498 = tpu.memref_slice %arg5[%add3A_489, %dma_wait3A_497] : memref<128x100xi32, #tpu.memory_space<vmem>> -> memref<1x100xi32, #tpu.memory_space<vmem>>
      %dma_wait3A_499 = tpu.memref_squeeze %dma_wait3A_498 : memref<1x100xi32, #tpu.memory_space<vmem>> -> memref<100xi32, #tpu.memory_space<vmem>>
      %dma_wait3A_500 = arith.constant 0 : i32
      %dma_wait3A_501 = arith.constant 0 : i32
      %dma_wait3A_502 = tpu.memref_slice %arg3[%dma_wait3A_500, %dma_wait3A_501] : memref<1000000x32xf32, #tpu.memory_space<hbm>> -> memref<1000000x32xf32, #tpu.memory_space<hbm>>
      %dma_wait3A_503 = tpu.memref_slice %arg7[%dma_wait3A_492] : memref<4x!tpu.dma_semaphore, #tpu.memory_space<semaphore_mem>> -> memref<1x!tpu.dma_semaphore, #tpu.memory_space<semaphore_mem>>
      %dma_wait3A_504 = tpu.memref_squeeze %dma_wait3A_503 : memref<1x!tpu.dma_semaphore, #tpu.memory_space<semaphore_mem>> -> memref<!tpu.dma_semaphore, #tpu.memory_space<semaphore_mem>>
      tpu.wait_indirect_dma semaphore(%dma_wait3A_504 : memref<!tpu.dma_semaphore, #tpu.memory_space<semaphore_mem>>) src(%dma_wait3A_502 : memref<1000000x32xf32, #tpu.memory_space<hbm>>) dst(%dma_wait3A_496 : memref<100x32xf32, #tpu.memory_space<vmem>>)
      %mul3A_505 = arith.constant 4 : i32
      %mul3A_506 = arith.muli %add3A_440, %mul3A_505 : i32
      %add3A_507 = arith.constant 3 : i32
      %add3A_508 = arith.addi %mul3A_506, %add3A_507 : i32
      %dma_wait3A_509 = arith.constant 2 : i32
      %dma_wait3A_510 = arith.constant 3 : i32
      %dma_wait3A_511 = arith.constant 2 : i32
      %dma_wait3A_512 = arith.constant 0 : i32
      %dma_wait3A_513 = arith.constant 0 : i32
      %dma_wait3A_514 = tpu.memref_slice %arg6[%dma_wait3A_509, %dma_wait3A_510, %dma_wait3A_512, %dma_wait3A_513] : memref<4x4x100x32xf32, #tpu.memory_space<vmem>> -> memref<1x1x100x32xf32, #tpu.memory_space<vmem>>
      %dma_wait3A_515 = tpu.memref_squeeze %dma_wait3A_514 : memref<1x1x100x32xf32, #tpu.memory_space<vmem>> -> memref<100x32xf32, #tpu.memory_space<vmem>>
      %dma_wait3A_516 = arith.constant 0 : i32
      %dma_wait3A_517 = tpu.memref_slice %arg5[%add3A_508, %dma_wait3A_516] : memref<128x100xi32, #tpu.memory_space<vmem>> -> memref<1x100xi32, #tpu.memory_space<vmem>>
      %dma_wait3A_518 = tpu.memref_squeeze %dma_wait3A_517 : memref<1x100xi32, #tpu.memory_space<vmem>> -> memref<100xi32, #tpu.memory_space<vmem>>
      %dma_wait3A_519 = arith.constant 0 : i32
      %dma_wait3A_520 = arith.constant 0 : i32
      %dma_wait3A_521 = tpu.memref_slice %arg3[%dma_wait3A_519, %dma_wait3A_520] : memref<1000000x32xf32, #tpu.memory_space<hbm>> -> memref<1000000x32xf32, #tpu.memory_space<hbm>>
      %dma_wait3A_522 = tpu.memref_slice %arg7[%dma_wait3A_511] : memref<4x!tpu.dma_semaphore, #tpu.memory_space<semaphore_mem>> -> memref<1x!tpu.dma_semaphore, #tpu.memory_space<semaphore_mem>>
      %dma_wait3A_523 = tpu.memref_squeeze %dma_wait3A_522 : memref<1x!tpu.dma_semaphore, #tpu.memory_space<semaphore_mem>> -> memref<!tpu.dma_semaphore, #tpu.memory_space<semaphore_mem>>
      tpu.wait_indirect_dma semaphore(%dma_wait3A_523 : memref<!tpu.dma_semaphore, #tpu.memory_space<semaphore_mem>>) src(%dma_wait3A_521 : memref<1000000x32xf32, #tpu.memory_space<hbm>>) dst(%dma_wait3A_515 : memref<100x32xf32, #tpu.memory_space<vmem>>)
      %mul3A_524 = arith.constant 4 : i32
      %mul3A_525 = arith.muli %add3A_440, %mul3A_524 : i32
      %add3A_526 = arith.addi %mul3A_2, %mul3A_525 : i32
      %dma_start3A_527 = arith.constant 2 : i32
      %dma_start3A_528 = arith.constant 2 : i32
      %dma_start3A_529 = arith.constant 0 : i32
      %dma_start3A_530 = arith.constant 0 : i32
      %dma_start3A_531 = arith.constant 0 : i32
      %dma_start3A_532 = tpu.memref_slice %arg6[%dma_start3A_527, %dma_start3A_529, %dma_start3A_530, %dma_start3A_531] : memref<4x4x100x32xf32, #tpu.memory_space<vmem>> -> memref<1x4x100x32xf32, #tpu.memory_space<vmem>>
      %dma_start3A_533 = tpu.memref_squeeze %dma_start3A_532 : memref<1x4x100x32xf32, #tpu.memory_space<vmem>> -> memref<4x100x32xf32, #tpu.memory_space<vmem>>
      %dma_start3A_534 = arith.constant 0 : i32
      %dma_start3A_535 = arith.constant 0 : i32
      %dma_start3A_536 = tpu.memref_slice %arg4[%add3A_526, %dma_start3A_534, %dma_start3A_535] : memref<4096x104x128xf32, #tpu.memory_space<hbm>> -> memref<4x100x32xf32, #tpu.memory_space<hbm>>
      %dma_start3A_537 = tpu.memref_slice %arg8[%dma_start3A_528] : memref<4x!tpu.dma_semaphore, #tpu.memory_space<semaphore_mem>> -> memref<1x!tpu.dma_semaphore, #tpu.memory_space<semaphore_mem>>
      %dma_start3A_538 = tpu.memref_squeeze %dma_start3A_537 : memref<1x!tpu.dma_semaphore, #tpu.memory_space<semaphore_mem>> -> memref<!tpu.dma_semaphore, #tpu.memory_space<semaphore_mem>>
      %dma_start3A_539 = arith.constant 0 : i32
      %dma_start3A_540 = arith.constant 0 : i32
      %dma_start3A_541 = tpu.memref_slice %arg4[%add3A_526, %dma_start3A_539, %dma_start3A_540] : memref<4096x104x128xf32, #tpu.memory_space<hbm>> -> memref<4x100x32xf32, #tpu.memory_space<hbm>>
      %dma_start3A_542 = arith.constant 0 : i32
      %dma_start3A_543 = arith.constant 0 : i32
      %dma_start3A_544 = arith.constant 0 : i32
      %dma_start3A_545 = tpu.memref_slice %arg6[%dma_start3A_527, %dma_start3A_542, %dma_start3A_543, %dma_start3A_544] : memref<4x4x100x32xf32, #tpu.memory_space<vmem>> -> memref<1x4x100x32xf32, #tpu.memory_space<vmem>>
      %dma_start3A_546 = tpu.memref_squeeze %dma_start3A_545 : memref<1x4x100x32xf32, #tpu.memory_space<vmem>> -> memref<4x100x32xf32, #tpu.memory_space<vmem>>
      tpu.enqueue_dma source(%dma_start3A_546 : memref<4x100x32xf32, #tpu.memory_space<vmem>>) target(%dma_start3A_541 : memref<4x100x32xf32, #tpu.memory_space<hbm>>) target_semaphore(%dma_start3A_538 : memref<!tpu.dma_semaphore, #tpu.memory_space<semaphore_mem>>)
      %add3A_547 = arith.constant 3 : i32
      %add3A_548 = arith.addi %add3A_225, %add3A_547 : i32
      %add3A_549 = arith.constant 2 : i32
      %add3A_550 = arith.addi %add3A_548, %add3A_549 : i32
      %lt3A_551 = arith.constant 32 : i32
      %lt3A_552 = arith.cmpi slt, %add3A_550, %lt3A_551 : i32
      %convert_element_type3A_553 = arith.extui %lt3A_552 : i1 to i32
      %cond3A_554 = arith.constant 0 : i32
      %cond3A_555 = arith.cmpi ne, %convert_element_type3A_553, %cond3A_554 : i32
      scf.if %cond3A_555 {
        %ge3A = arith.constant 4 : i32
        %ge3A_655 = arith.cmpi sge, %add3A_550, %ge3A : i32
        %convert_element_type3A_656 = arith.extui %ge3A_655 : i1 to i32
        %cond3A_657 = arith.constant 0 : i32
        %cond3A_658 = arith.cmpi ne, %convert_element_type3A_656, %cond3A_657 : i32
        scf.if %cond3A_658 {
          %dma_wait3A_735 = arith.constant 1 : i32
          %dma_wait3A_736 = arith.constant 1 : i32
          %dma_wait3A_737 = arith.constant 0 : i32
          %dma_wait3A_738 = arith.constant 0 : i32
          %dma_wait3A_739 = arith.constant 0 : i32
          %dma_wait3A_740 = tpu.memref_slice %arg6[%dma_wait3A_735, %dma_wait3A_737, %dma_wait3A_738, %dma_wait3A_739] : memref<4x4x100x32xf32, #tpu.memory_space<vmem>> -> memref<1x4x100x32xf32, #tpu.memory_space<vmem>>
          %dma_wait3A_741 = tpu.memref_squeeze %dma_wait3A_740 : memref<1x4x100x32xf32, #tpu.memory_space<vmem>> -> memref<4x100x32xf32, #tpu.memory_space<vmem>>
          %dma_wait3A_742 = arith.constant 0 : i32
          %dma_wait3A_743 = arith.constant 0 : i32
          %dma_wait3A_744 = arith.constant 0 : i32
          %dma_wait3A_745 = tpu.memref_slice %arg4[%dma_wait3A_742, %dma_wait3A_743, %dma_wait3A_744] : memref<4096x104x128xf32, #tpu.memory_space<hbm>> -> memref<4x100x32xf32, #tpu.memory_space<hbm>>
          %dma_wait3A_746 = tpu.memref_slice %arg8[%dma_wait3A_736] : memref<4x!tpu.dma_semaphore, #tpu.memory_space<semaphore_mem>> -> memref<1x!tpu.dma_semaphore, #tpu.memory_space<semaphore_mem>>
          %dma_wait3A_747 = tpu.memref_squeeze %dma_wait3A_746 : memref<1x!tpu.dma_semaphore, #tpu.memory_space<semaphore_mem>> -> memref<!tpu.dma_semaphore, #tpu.memory_space<semaphore_mem>>
          %dma_wait3A_748 = arith.constant 0 : i32
          %dma_wait3A_749 = arith.constant 0 : i32
          %dma_wait3A_750 = arith.constant 0 : i32
          %dma_wait3A_751 = tpu.memref_slice %arg4[%dma_wait3A_748, %dma_wait3A_749, %dma_wait3A_750] : memref<4096x104x128xf32, #tpu.memory_space<hbm>> -> memref<4x100x32xf32, #tpu.memory_space<hbm>>
          %dma_wait3A_752 = arith.constant 0 : i32
          %dma_wait3A_753 = arith.constant 0 : i32
          %dma_wait3A_754 = arith.constant 0 : i32
          %dma_wait3A_755 = tpu.memref_slice %arg6[%dma_wait3A_735, %dma_wait3A_752, %dma_wait3A_753, %dma_wait3A_754] : memref<4x4x100x32xf32, #tpu.memory_space<vmem>> -> memref<1x4x100x32xf32, #tpu.memory_space<vmem>>
          %dma_wait3A_756 = tpu.memref_squeeze %dma_wait3A_755 : memref<1x4x100x32xf32, #tpu.memory_space<vmem>> -> memref<4x100x32xf32, #tpu.memory_space<vmem>>
          tpu.wait_dma2 semaphore(%dma_wait3A_747 : memref<!tpu.dma_semaphore, #tpu.memory_space<semaphore_mem>>) src(%dma_wait3A_756 : memref<4x100x32xf32, #tpu.memory_space<vmem>>) dst(%dma_wait3A_751 : memref<4x100x32xf32, #tpu.memory_space<hbm>>)
        } else {
        }
        %mul3A_659 = arith.constant 4 : i32
        %mul3A_660 = arith.muli %add3A_550, %mul3A_659 : i32
        %add3A_661 = arith.constant 0 : i32
        %add3A_662 = arith.addi %mul3A_660, %add3A_661 : i32
        %dma_start3A_663 = arith.constant 1 : i32
        %dma_start3A_664 = arith.constant 0 : i32
        %dma_start3A_665 = arith.constant 1 : i32
        %dma_start3A_666 = arith.constant 0 : i32
        %dma_start3A_667 = arith.constant 0 : i32
        %dma_start3A_668 = tpu.memref_slice %arg6[%dma_start3A_663, %dma_start3A_664, %dma_start3A_666, %dma_start3A_667] : memref<4x4x100x32xf32, #tpu.memory_space<vmem>> -> memref<1x1x100x32xf32, #tpu.memory_space<vmem>>
        %dma_start3A_669 = tpu.memref_squeeze %dma_start3A_668 : memref<1x1x100x32xf32, #tpu.memory_space<vmem>> -> memref<100x32xf32, #tpu.memory_space<vmem>>
        %dma_start3A_670 = arith.constant 0 : i32
        %dma_start3A_671 = tpu.memref_slice %arg5[%add3A_662, %dma_start3A_670] : memref<128x100xi32, #tpu.memory_space<vmem>> -> memref<1x100xi32, #tpu.memory_space<vmem>>
        %dma_start3A_672 = tpu.memref_squeeze %dma_start3A_671 : memref<1x100xi32, #tpu.memory_space<vmem>> -> memref<100xi32, #tpu.memory_space<vmem>>
        %dma_start3A_673 = arith.constant 0 : i32
        %dma_start3A_674 = arith.constant 0 : i32
        %dma_start3A_675 = tpu.memref_slice %arg3[%dma_start3A_673, %dma_start3A_674] : memref<1000000x32xf32, #tpu.memory_space<hbm>> -> memref<1000000x32xf32, #tpu.memory_space<hbm>>
        %dma_start3A_676 = tpu.memref_slice %arg7[%dma_start3A_665] : memref<4x!tpu.dma_semaphore, #tpu.memory_space<semaphore_mem>> -> memref<1x!tpu.dma_semaphore, #tpu.memory_space<semaphore_mem>>
        %dma_start3A_677 = tpu.memref_squeeze %dma_start3A_676 : memref<1x!tpu.dma_semaphore, #tpu.memory_space<semaphore_mem>> -> memref<!tpu.dma_semaphore, #tpu.memory_space<semaphore_mem>>
        tpu.enqueue_indirect_dma source(%dma_start3A_675 : memref<1000000x32xf32, #tpu.memory_space<hbm>>) target(%dma_start3A_669 : memref<100x32xf32, #tpu.memory_space<vmem>>) offsets(%dma_start3A_672 : memref<100xi32, #tpu.memory_space<vmem>>) semaphore(%dma_start3A_677 : memref<!tpu.dma_semaphore, #tpu.memory_space<semaphore_mem>>)
        %mul3A_678 = arith.constant 4 : i32
        %mul3A_679 = arith.muli %add3A_550, %mul3A_678 : i32
        %add3A_680 = arith.constant 1 : i32
        %add3A_681 = arith.addi %mul3A_679, %add3A_680 : i32
        %dma_start3A_682 = arith.constant 1 : i32
        %dma_start3A_683 = arith.constant 1 : i32
        %dma_start3A_684 = arith.constant 1 : i32
        %dma_start3A_685 = arith.constant 0 : i32
        %dma_start3A_686 = arith.constant 0 : i32
        %dma_start3A_687 = tpu.memref_slice %arg6[%dma_start3A_682, %dma_start3A_683, %dma_start3A_685, %dma_start3A_686] : memref<4x4x100x32xf32, #tpu.memory_space<vmem>> -> memref<1x1x100x32xf32, #tpu.memory_space<vmem>>
        %dma_start3A_688 = tpu.memref_squeeze %dma_start3A_687 : memref<1x1x100x32xf32, #tpu.memory_space<vmem>> -> memref<100x32xf32, #tpu.memory_space<vmem>>
        %dma_start3A_689 = arith.constant 0 : i32
        %dma_start3A_690 = tpu.memref_slice %arg5[%add3A_681, %dma_start3A_689] : memref<128x100xi32, #tpu.memory_space<vmem>> -> memref<1x100xi32, #tpu.memory_space<vmem>>
        %dma_start3A_691 = tpu.memref_squeeze %dma_start3A_690 : memref<1x100xi32, #tpu.memory_space<vmem>> -> memref<100xi32, #tpu.memory_space<vmem>>
        %dma_start3A_692 = arith.constant 0 : i32
        %dma_start3A_693 = arith.constant 0 : i32
        %dma_start3A_694 = tpu.memref_slice %arg3[%dma_start3A_692, %dma_start3A_693] : memref<1000000x32xf32, #tpu.memory_space<hbm>> -> memref<1000000x32xf32, #tpu.memory_space<hbm>>
        %dma_start3A_695 = tpu.memref_slice %arg7[%dma_start3A_684] : memref<4x!tpu.dma_semaphore, #tpu.memory_space<semaphore_mem>> -> memref<1x!tpu.dma_semaphore, #tpu.memory_space<semaphore_mem>>
        %dma_start3A_696 = tpu.memref_squeeze %dma_start3A_695 : memref<1x!tpu.dma_semaphore, #tpu.memory_space<semaphore_mem>> -> memref<!tpu.dma_semaphore, #tpu.memory_space<semaphore_mem>>
        tpu.enqueue_indirect_dma source(%dma_start3A_694 : memref<1000000x32xf32, #tpu.memory_space<hbm>>) target(%dma_start3A_688 : memref<100x32xf32, #tpu.memory_space<vmem>>) offsets(%dma_start3A_691 : memref<100xi32, #tpu.memory_space<vmem>>) semaphore(%dma_start3A_696 : memref<!tpu.dma_semaphore, #tpu.memory_space<semaphore_mem>>)
        %mul3A_697 = arith.constant 4 : i32
        %mul3A_698 = arith.muli %add3A_550, %mul3A_697 : i32
        %add3A_699 = arith.constant 2 : i32
        %add3A_700 = arith.addi %mul3A_698, %add3A_699 : i32
        %dma_start3A_701 = arith.constant 1 : i32
        %dma_start3A_702 = arith.constant 2 : i32
        %dma_start3A_703 = arith.constant 1 : i32
        %dma_start3A_704 = arith.constant 0 : i32
        %dma_start3A_705 = arith.constant 0 : i32
        %dma_start3A_706 = tpu.memref_slice %arg6[%dma_start3A_701, %dma_start3A_702, %dma_start3A_704, %dma_start3A_705] : memref<4x4x100x32xf32, #tpu.memory_space<vmem>> -> memref<1x1x100x32xf32, #tpu.memory_space<vmem>>
        %dma_start3A_707 = tpu.memref_squeeze %dma_start3A_706 : memref<1x1x100x32xf32, #tpu.memory_space<vmem>> -> memref<100x32xf32, #tpu.memory_space<vmem>>
        %dma_start3A_708 = arith.constant 0 : i32
        %dma_start3A_709 = tpu.memref_slice %arg5[%add3A_700, %dma_start3A_708] : memref<128x100xi32, #tpu.memory_space<vmem>> -> memref<1x100xi32, #tpu.memory_space<vmem>>
        %dma_start3A_710 = tpu.memref_squeeze %dma_start3A_709 : memref<1x100xi32, #tpu.memory_space<vmem>> -> memref<100xi32, #tpu.memory_space<vmem>>
        %dma_start3A_711 = arith.constant 0 : i32
        %dma_start3A_712 = arith.constant 0 : i32
        %dma_start3A_713 = tpu.memref_slice %arg3[%dma_start3A_711, %dma_start3A_712] : memref<1000000x32xf32, #tpu.memory_space<hbm>> -> memref<1000000x32xf32, #tpu.memory_space<hbm>>
        %dma_start3A_714 = tpu.memref_slice %arg7[%dma_start3A_703] : memref<4x!tpu.dma_semaphore, #tpu.memory_space<semaphore_mem>> -> memref<1x!tpu.dma_semaphore, #tpu.memory_space<semaphore_mem>>
        %dma_start3A_715 = tpu.memref_squeeze %dma_start3A_714 : memref<1x!tpu.dma_semaphore, #tpu.memory_space<semaphore_mem>> -> memref<!tpu.dma_semaphore, #tpu.memory_space<semaphore_mem>>
        tpu.enqueue_indirect_dma source(%dma_start3A_713 : memref<1000000x32xf32, #tpu.memory_space<hbm>>) target(%dma_start3A_707 : memref<100x32xf32, #tpu.memory_space<vmem>>) offsets(%dma_start3A_710 : memref<100xi32, #tpu.memory_space<vmem>>) semaphore(%dma_start3A_715 : memref<!tpu.dma_semaphore, #tpu.memory_space<semaphore_mem>>)
        %mul3A_716 = arith.constant 4 : i32
        %mul3A_717 = arith.muli %add3A_550, %mul3A_716 : i32
        %add3A_718 = arith.constant 3 : i32
        %add3A_719 = arith.addi %mul3A_717, %add3A_718 : i32
        %dma_start3A_720 = arith.constant 1 : i32
        %dma_start3A_721 = arith.constant 3 : i32
        %dma_start3A_722 = arith.constant 1 : i32
        %dma_start3A_723 = arith.constant 0 : i32
        %dma_start3A_724 = arith.constant 0 : i32
        %dma_start3A_725 = tpu.memref_slice %arg6[%dma_start3A_720, %dma_start3A_721, %dma_start3A_723, %dma_start3A_724] : memref<4x4x100x32xf32, #tpu.memory_space<vmem>> -> memref<1x1x100x32xf32, #tpu.memory_space<vmem>>
        %dma_start3A_726 = tpu.memref_squeeze %dma_start3A_725 : memref<1x1x100x32xf32, #tpu.memory_space<vmem>> -> memref<100x32xf32, #tpu.memory_space<vmem>>
        %dma_start3A_727 = arith.constant 0 : i32
        %dma_start3A_728 = tpu.memref_slice %arg5[%add3A_719, %dma_start3A_727] : memref<128x100xi32, #tpu.memory_space<vmem>> -> memref<1x100xi32, #tpu.memory_space<vmem>>
        %dma_start3A_729 = tpu.memref_squeeze %dma_start3A_728 : memref<1x100xi32, #tpu.memory_space<vmem>> -> memref<100xi32, #tpu.memory_space<vmem>>
        %dma_start3A_730 = arith.constant 0 : i32
        %dma_start3A_731 = arith.constant 0 : i32
        %dma_start3A_732 = tpu.memref_slice %arg3[%dma_start3A_730, %dma_start3A_731] : memref<1000000x32xf32, #tpu.memory_space<hbm>> -> memref<1000000x32xf32, #tpu.memory_space<hbm>>
        %dma_start3A_733 = tpu.memref_slice %arg7[%dma_start3A_722] : memref<4x!tpu.dma_semaphore, #tpu.memory_space<semaphore_mem>> -> memref<1x!tpu.dma_semaphore, #tpu.memory_space<semaphore_mem>>
        %dma_start3A_734 = tpu.memref_squeeze %dma_start3A_733 : memref<1x!tpu.dma_semaphore, #tpu.memory_space<semaphore_mem>> -> memref<!tpu.dma_semaphore, #tpu.memory_space<semaphore_mem>>
        tpu.enqueue_indirect_dma source(%dma_start3A_732 : memref<1000000x32xf32, #tpu.memory_space<hbm>>) target(%dma_start3A_726 : memref<100x32xf32, #tpu.memory_space<vmem>>) offsets(%dma_start3A_729 : memref<100xi32, #tpu.memory_space<vmem>>) semaphore(%dma_start3A_734 : memref<!tpu.dma_semaphore, #tpu.memory_space<semaphore_mem>>)
      } else {
      }
      %mul3A_556 = arith.constant 4 : i32
      %mul3A_557 = arith.muli %add3A_548, %mul3A_556 : i32
      %add3A_558 = arith.constant 0 : i32
      %add3A_559 = arith.addi %mul3A_557, %add3A_558 : i32
      %dma_wait3A_560 = arith.constant 3 : i32
      %dma_wait3A_561 = arith.constant 0 : i32
      %dma_wait3A_562 = arith.constant 3 : i32
      %dma_wait3A_563 = arith.constant 0 : i32
      %dma_wait3A_564 = arith.constant 0 : i32
      %dma_wait3A_565 = tpu.memref_slice %arg6[%dma_wait3A_560, %dma_wait3A_561, %dma_wait3A_563, %dma_wait3A_564] : memref<4x4x100x32xf32, #tpu.memory_space<vmem>> -> memref<1x1x100x32xf32, #tpu.memory_space<vmem>>
      %dma_wait3A_566 = tpu.memref_squeeze %dma_wait3A_565 : memref<1x1x100x32xf32, #tpu.memory_space<vmem>> -> memref<100x32xf32, #tpu.memory_space<vmem>>
      %dma_wait3A_567 = arith.constant 0 : i32
      %dma_wait3A_568 = tpu.memref_slice %arg5[%add3A_559, %dma_wait3A_567] : memref<128x100xi32, #tpu.memory_space<vmem>> -> memref<1x100xi32, #tpu.memory_space<vmem>>
      %dma_wait3A_569 = tpu.memref_squeeze %dma_wait3A_568 : memref<1x100xi32, #tpu.memory_space<vmem>> -> memref<100xi32, #tpu.memory_space<vmem>>
      %dma_wait3A_570 = arith.constant 0 : i32
      %dma_wait3A_571 = arith.constant 0 : i32
      %dma_wait3A_572 = tpu.memref_slice %arg3[%dma_wait3A_570, %dma_wait3A_571] : memref<1000000x32xf32, #tpu.memory_space<hbm>> -> memref<1000000x32xf32, #tpu.memory_space<hbm>>
      %dma_wait3A_573 = tpu.memref_slice %arg7[%dma_wait3A_562] : memref<4x!tpu.dma_semaphore, #tpu.memory_space<semaphore_mem>> -> memref<1x!tpu.dma_semaphore, #tpu.memory_space<semaphore_mem>>
      %dma_wait3A_574 = tpu.memref_squeeze %dma_wait3A_573 : memref<1x!tpu.dma_semaphore, #tpu.memory_space<semaphore_mem>> -> memref<!tpu.dma_semaphore, #tpu.memory_space<semaphore_mem>>
      tpu.wait_indirect_dma semaphore(%dma_wait3A_574 : memref<!tpu.dma_semaphore, #tpu.memory_space<semaphore_mem>>) src(%dma_wait3A_572 : memref<1000000x32xf32, #tpu.memory_space<hbm>>) dst(%dma_wait3A_566 : memref<100x32xf32, #tpu.memory_space<vmem>>)
      %mul3A_575 = arith.constant 4 : i32
      %mul3A_576 = arith.muli %add3A_548, %mul3A_575 : i32
      %add3A_577 = arith.constant 1 : i32
      %add3A_578 = arith.addi %mul3A_576, %add3A_577 : i32
      %dma_wait3A_579 = arith.constant 3 : i32
      %dma_wait3A_580 = arith.constant 1 : i32
      %dma_wait3A_581 = arith.constant 3 : i32
      %dma_wait3A_582 = arith.constant 0 : i32
      %dma_wait3A_583 = arith.constant 0 : i32
      %dma_wait3A_584 = tpu.memref_slice %arg6[%dma_wait3A_579, %dma_wait3A_580, %dma_wait3A_582, %dma_wait3A_583] : memref<4x4x100x32xf32, #tpu.memory_space<vmem>> -> memref<1x1x100x32xf32, #tpu.memory_space<vmem>>
      %dma_wait3A_585 = tpu.memref_squeeze %dma_wait3A_584 : memref<1x1x100x32xf32, #tpu.memory_space<vmem>> -> memref<100x32xf32, #tpu.memory_space<vmem>>
      %dma_wait3A_586 = arith.constant 0 : i32
      %dma_wait3A_587 = tpu.memref_slice %arg5[%add3A_578, %dma_wait3A_586] : memref<128x100xi32, #tpu.memory_space<vmem>> -> memref<1x100xi32, #tpu.memory_space<vmem>>
      %dma_wait3A_588 = tpu.memref_squeeze %dma_wait3A_587 : memref<1x100xi32, #tpu.memory_space<vmem>> -> memref<100xi32, #tpu.memory_space<vmem>>
      %dma_wait3A_589 = arith.constant 0 : i32
      %dma_wait3A_590 = arith.constant 0 : i32
      %dma_wait3A_591 = tpu.memref_slice %arg3[%dma_wait3A_589, %dma_wait3A_590] : memref<1000000x32xf32, #tpu.memory_space<hbm>> -> memref<1000000x32xf32, #tpu.memory_space<hbm>>
      %dma_wait3A_592 = tpu.memref_slice %arg7[%dma_wait3A_581] : memref<4x!tpu.dma_semaphore, #tpu.memory_space<semaphore_mem>> -> memref<1x!tpu.dma_semaphore, #tpu.memory_space<semaphore_mem>>
      %dma_wait3A_593 = tpu.memref_squeeze %dma_wait3A_592 : memref<1x!tpu.dma_semaphore, #tpu.memory_space<semaphore_mem>> -> memref<!tpu.dma_semaphore, #tpu.memory_space<semaphore_mem>>
      tpu.wait_indirect_dma semaphore(%dma_wait3A_593 : memref<!tpu.dma_semaphore, #tpu.memory_space<semaphore_mem>>) src(%dma_wait3A_591 : memref<1000000x32xf32, #tpu.memory_space<hbm>>) dst(%dma_wait3A_585 : memref<100x32xf32, #tpu.memory_space<vmem>>)
      %mul3A_594 = arith.constant 4 : i32
      %mul3A_595 = arith.muli %add3A_548, %mul3A_594 : i32
      %add3A_596 = arith.constant 2 : i32
      %add3A_597 = arith.addi %mul3A_595, %add3A_596 : i32
      %dma_wait3A_598 = arith.constant 3 : i32
      %dma_wait3A_599 = arith.constant 2 : i32
      %dma_wait3A_600 = arith.constant 3 : i32
      %dma_wait3A_601 = arith.constant 0 : i32
      %dma_wait3A_602 = arith.constant 0 : i32
      %dma_wait3A_603 = tpu.memref_slice %arg6[%dma_wait3A_598, %dma_wait3A_599, %dma_wait3A_601, %dma_wait3A_602] : memref<4x4x100x32xf32, #tpu.memory_space<vmem>> -> memref<1x1x100x32xf32, #tpu.memory_space<vmem>>
      %dma_wait3A_604 = tpu.memref_squeeze %dma_wait3A_603 : memref<1x1x100x32xf32, #tpu.memory_space<vmem>> -> memref<100x32xf32, #tpu.memory_space<vmem>>
      %dma_wait3A_605 = arith.constant 0 : i32
      %dma_wait3A_606 = tpu.memref_slice %arg5[%add3A_597, %dma_wait3A_605] : memref<128x100xi32, #tpu.memory_space<vmem>> -> memref<1x100xi32, #tpu.memory_space<vmem>>
      %dma_wait3A_607 = tpu.memref_squeeze %dma_wait3A_606 : memref<1x100xi32, #tpu.memory_space<vmem>> -> memref<100xi32, #tpu.memory_space<vmem>>
      %dma_wait3A_608 = arith.constant 0 : i32
      %dma_wait3A_609 = arith.constant 0 : i32
      %dma_wait3A_610 = tpu.memref_slice %arg3[%dma_wait3A_608, %dma_wait3A_609] : memref<1000000x32xf32, #tpu.memory_space<hbm>> -> memref<1000000x32xf32, #tpu.memory_space<hbm>>
      %dma_wait3A_611 = tpu.memref_slice %arg7[%dma_wait3A_600] : memref<4x!tpu.dma_semaphore, #tpu.memory_space<semaphore_mem>> -> memref<1x!tpu.dma_semaphore, #tpu.memory_space<semaphore_mem>>
      %dma_wait3A_612 = tpu.memref_squeeze %dma_wait3A_611 : memref<1x!tpu.dma_semaphore, #tpu.memory_space<semaphore_mem>> -> memref<!tpu.dma_semaphore, #tpu.memory_space<semaphore_mem>>
      tpu.wait_indirect_dma semaphore(%dma_wait3A_612 : memref<!tpu.dma_semaphore, #tpu.memory_space<semaphore_mem>>) src(%dma_wait3A_610 : memref<1000000x32xf32, #tpu.memory_space<hbm>>) dst(%dma_wait3A_604 : memref<100x32xf32, #tpu.memory_space<vmem>>)
      %mul3A_613 = arith.constant 4 : i32
      %mul3A_614 = arith.muli %add3A_548, %mul3A_613 : i32
      %add3A_615 = arith.constant 3 : i32
      %add3A_616 = arith.addi %mul3A_614, %add3A_615 : i32
      %dma_wait3A_617 = arith.constant 3 : i32
      %dma_wait3A_618 = arith.constant 3 : i32
      %dma_wait3A_619 = arith.constant 3 : i32
      %dma_wait3A_620 = arith.constant 0 : i32
      %dma_wait3A_621 = arith.constant 0 : i32
      %dma_wait3A_622 = tpu.memref_slice %arg6[%dma_wait3A_617, %dma_wait3A_618, %dma_wait3A_620, %dma_wait3A_621] : memref<4x4x100x32xf32, #tpu.memory_space<vmem>> -> memref<1x1x100x32xf32, #tpu.memory_space<vmem>>
      %dma_wait3A_623 = tpu.memref_squeeze %dma_wait3A_622 : memref<1x1x100x32xf32, #tpu.memory_space<vmem>> -> memref<100x32xf32, #tpu.memory_space<vmem>>
      %dma_wait3A_624 = arith.constant 0 : i32
      %dma_wait3A_625 = tpu.memref_slice %arg5[%add3A_616, %dma_wait3A_624] : memref<128x100xi32, #tpu.memory_space<vmem>> -> memref<1x100xi32, #tpu.memory_space<vmem>>
      %dma_wait3A_626 = tpu.memref_squeeze %dma_wait3A_625 : memref<1x100xi32, #tpu.memory_space<vmem>> -> memref<100xi32, #tpu.memory_space<vmem>>
      %dma_wait3A_627 = arith.constant 0 : i32
      %dma_wait3A_628 = arith.constant 0 : i32
      %dma_wait3A_629 = tpu.memref_slice %arg3[%dma_wait3A_627, %dma_wait3A_628] : memref<1000000x32xf32, #tpu.memory_space<hbm>> -> memref<1000000x32xf32, #tpu.memory_space<hbm>>
      %dma_wait3A_630 = tpu.memref_slice %arg7[%dma_wait3A_619] : memref<4x!tpu.dma_semaphore, #tpu.memory_space<semaphore_mem>> -> memref<1x!tpu.dma_semaphore, #tpu.memory_space<semaphore_mem>>
      %dma_wait3A_631 = tpu.memref_squeeze %dma_wait3A_630 : memref<1x!tpu.dma_semaphore, #tpu.memory_space<semaphore_mem>> -> memref<!tpu.dma_semaphore, #tpu.memory_space<semaphore_mem>>
      tpu.wait_indirect_dma semaphore(%dma_wait3A_631 : memref<!tpu.dma_semaphore, #tpu.memory_space<semaphore_mem>>) src(%dma_wait3A_629 : memref<1000000x32xf32, #tpu.memory_space<hbm>>) dst(%dma_wait3A_623 : memref<100x32xf32, #tpu.memory_space<vmem>>)
      %mul3A_632 = arith.constant 4 : i32
      %mul3A_633 = arith.muli %add3A_548, %mul3A_632 : i32
      %add3A_634 = arith.addi %mul3A_2, %mul3A_633 : i32
      %dma_start3A_635 = arith.constant 3 : i32
      %dma_start3A_636 = arith.constant 3 : i32
      %dma_start3A_637 = arith.constant 0 : i32
      %dma_start3A_638 = arith.constant 0 : i32
      %dma_start3A_639 = arith.constant 0 : i32
      %dma_start3A_640 = tpu.memref_slice %arg6[%dma_start3A_635, %dma_start3A_637, %dma_start3A_638, %dma_start3A_639] : memref<4x4x100x32xf32, #tpu.memory_space<vmem>> -> memref<1x4x100x32xf32, #tpu.memory_space<vmem>>
      %dma_start3A_641 = tpu.memref_squeeze %dma_start3A_640 : memref<1x4x100x32xf32, #tpu.memory_space<vmem>> -> memref<4x100x32xf32, #tpu.memory_space<vmem>>
      %dma_start3A_642 = arith.constant 0 : i32
      %dma_start3A_643 = arith.constant 0 : i32
      %dma_start3A_644 = tpu.memref_slice %arg4[%add3A_634, %dma_start3A_642, %dma_start3A_643] : memref<4096x104x128xf32, #tpu.memory_space<hbm>> -> memref<4x100x32xf32, #tpu.memory_space<hbm>>
      %dma_start3A_645 = tpu.memref_slice %arg8[%dma_start3A_636] : memref<4x!tpu.dma_semaphore, #tpu.memory_space<semaphore_mem>> -> memref<1x!tpu.dma_semaphore, #tpu.memory_space<semaphore_mem>>
      %dma_start3A_646 = tpu.memref_squeeze %dma_start3A_645 : memref<1x!tpu.dma_semaphore, #tpu.memory_space<semaphore_mem>> -> memref<!tpu.dma_semaphore, #tpu.memory_space<semaphore_mem>>
      %dma_start3A_647 = arith.constant 0 : i32
      %dma_start3A_648 = arith.constant 0 : i32
      %dma_start3A_649 = tpu.memref_slice %arg4[%add3A_634, %dma_start3A_647, %dma_start3A_648] : memref<4096x104x128xf32, #tpu.memory_space<hbm>> -> memref<4x100x32xf32, #tpu.memory_space<hbm>>
      %dma_start3A_650 = arith.constant 0 : i32
      %dma_start3A_651 = arith.constant 0 : i32
      %dma_start3A_652 = arith.constant 0 : i32
      %dma_start3A_653 = tpu.memref_slice %arg6[%dma_start3A_635, %dma_start3A_650, %dma_start3A_651, %dma_start3A_652] : memref<4x4x100x32xf32, #tpu.memory_space<vmem>> -> memref<1x4x100x32xf32, #tpu.memory_space<vmem>>
      %dma_start3A_654 = tpu.memref_squeeze %dma_start3A_653 : memref<1x4x100x32xf32, #tpu.memory_space<vmem>> -> memref<4x100x32xf32, #tpu.memory_space<vmem>>
      tpu.enqueue_dma source(%dma_start3A_654 : memref<4x100x32xf32, #tpu.memory_space<vmem>>) target(%dma_start3A_649 : memref<4x100x32xf32, #tpu.memory_space<hbm>>) target_semaphore(%dma_start3A_646 : memref<!tpu.dma_semaphore, #tpu.memory_space<semaphore_mem>>)
    }
    %scan3A_133 = arith.constant 8 : i32
    %dma_wait3A = arith.constant 0 : i32
    %dma_wait3A_134 = arith.constant 0 : i32
    %dma_wait3A_135 = arith.constant 0 : i32
    %dma_wait3A_136 = arith.constant 0 : i32
    %dma_wait3A_137 = arith.constant 0 : i32
    %dma_wait3A_138 = tpu.memref_slice %arg6[%dma_wait3A, %dma_wait3A_135, %dma_wait3A_136, %dma_wait3A_137] : memref<4x4x100x32xf32, #tpu.memory_space<vmem>> -> memref<1x4x100x32xf32, #tpu.memory_space<vmem>>
    %dma_wait3A_139 = tpu.memref_squeeze %dma_wait3A_138 : memref<1x4x100x32xf32, #tpu.memory_space<vmem>> -> memref<4x100x32xf32, #tpu.memory_space<vmem>>
    %dma_wait3A_140 = arith.constant 0 : i32
    %dma_wait3A_141 = arith.constant 0 : i32
    %dma_wait3A_142 = arith.constant 0 : i32
    %dma_wait3A_143 = tpu.memref_slice %arg4[%dma_wait3A_140, %dma_wait3A_141, %dma_wait3A_142] : memref<4096x104x128xf32, #tpu.memory_space<hbm>> -> memref<4x100x32xf32, #tpu.memory_space<hbm>>
    %dma_wait3A_144 = tpu.memref_slice %arg8[%dma_wait3A_134] : memref<4x!tpu.dma_semaphore, #tpu.memory_space<semaphore_mem>> -> memref<1x!tpu.dma_semaphore, #tpu.memory_space<semaphore_mem>>
    %dma_wait3A_145 = tpu.memref_squeeze %dma_wait3A_144 : memref<1x!tpu.dma_semaphore, #tpu.memory_space<semaphore_mem>> -> memref<!tpu.dma_semaphore, #tpu.memory_space<semaphore_mem>>
    %dma_wait3A_146 = arith.constant 0 : i32
    %dma_wait3A_147 = arith.constant 0 : i32
    %dma_wait3A_148 = arith.constant 0 : i32
    %dma_wait3A_149 = tpu.memref_slice %arg4[%dma_wait3A_146, %dma_wait3A_147, %dma_wait3A_148] : memref<4096x104x128xf32, #tpu.memory_space<hbm>> -> memref<4x100x32xf32, #tpu.memory_space<hbm>>
    %dma_wait3A_150 = arith.constant 0 : i32
    %dma_wait3A_151 = arith.constant 0 : i32
    %dma_wait3A_152 = arith.constant 0 : i32
    %dma_wait3A_153 = tpu.memref_slice %arg6[%dma_wait3A, %dma_wait3A_150, %dma_wait3A_151, %dma_wait3A_152] : memref<4x4x100x32xf32, #tpu.memory_space<vmem>> -> memref<1x4x100x32xf32, #tpu.memory_space<vmem>>
    %dma_wait3A_154 = tpu.memref_squeeze %dma_wait3A_153 : memref<1x4x100x32xf32, #tpu.memory_space<vmem>> -> memref<4x100x32xf32, #tpu.memory_space<vmem>>
    tpu.wait_dma2 semaphore(%dma_wait3A_145 : memref<!tpu.dma_semaphore, #tpu.memory_space<semaphore_mem>>) src(%dma_wait3A_154 : memref<4x100x32xf32, #tpu.memory_space<vmem>>) dst(%dma_wait3A_149 : memref<4x100x32xf32, #tpu.memory_space<hbm>>)
    %dma_wait3A_155 = arith.constant 1 : i32
    %dma_wait3A_156 = arith.constant 1 : i32
    %dma_wait3A_157 = arith.constant 0 : i32
    %dma_wait3A_158 = arith.constant 0 : i32
    %dma_wait3A_159 = arith.constant 0 : i32
    %dma_wait3A_160 = tpu.memref_slice %arg6[%dma_wait3A_155, %dma_wait3A_157, %dma_wait3A_158, %dma_wait3A_159] : memref<4x4x100x32xf32, #tpu.memory_space<vmem>> -> memref<1x4x100x32xf32, #tpu.memory_space<vmem>>
    %dma_wait3A_161 = tpu.memref_squeeze %dma_wait3A_160 : memref<1x4x100x32xf32, #tpu.memory_space<vmem>> -> memref<4x100x32xf32, #tpu.memory_space<vmem>>
    %dma_wait3A_162 = arith.constant 0 : i32
    %dma_wait3A_163 = arith.constant 0 : i32
    %dma_wait3A_164 = arith.constant 0 : i32
    %dma_wait3A_165 = tpu.memref_slice %arg4[%dma_wait3A_162, %dma_wait3A_163, %dma_wait3A_164] : memref<4096x104x128xf32, #tpu.memory_space<hbm>> -> memref<4x100x32xf32, #tpu.memory_space<hbm>>
    %dma_wait3A_166 = tpu.memref_slice %arg8[%dma_wait3A_156] : memref<4x!tpu.dma_semaphore, #tpu.memory_space<semaphore_mem>> -> memref<1x!tpu.dma_semaphore, #tpu.memory_space<semaphore_mem>>
    %dma_wait3A_167 = tpu.memref_squeeze %dma_wait3A_166 : memref<1x!tpu.dma_semaphore, #tpu.memory_space<semaphore_mem>> -> memref<!tpu.dma_semaphore, #tpu.memory_space<semaphore_mem>>
    %dma_wait3A_168 = arith.constant 0 : i32
    %dma_wait3A_169 = arith.constant 0 : i32
    %dma_wait3A_170 = arith.constant 0 : i32
    %dma_wait3A_171 = tpu.memref_slice %arg4[%dma_wait3A_168, %dma_wait3A_169, %dma_wait3A_170] : memref<4096x104x128xf32, #tpu.memory_space<hbm>> -> memref<4x100x32xf32, #tpu.memory_space<hbm>>
    %dma_wait3A_172 = arith.constant 0 : i32
    %dma_wait3A_173 = arith.constant 0 : i32
    %dma_wait3A_174 = arith.constant 0 : i32
    %dma_wait3A_175 = tpu.memref_slice %arg6[%dma_wait3A_155, %dma_wait3A_172, %dma_wait3A_173, %dma_wait3A_174] : memref<4x4x100x32xf32, #tpu.memory_space<vmem>> -> memref<1x4x100x32xf32, #tpu.memory_space<vmem>>
    %dma_wait3A_176 = tpu.memref_squeeze %dma_wait3A_175 : memref<1x4x100x32xf32, #tpu.memory_space<vmem>> -> memref<4x100x32xf32, #tpu.memory_space<vmem>>
    tpu.wait_dma2 semaphore(%dma_wait3A_167 : memref<!tpu.dma_semaphore, #tpu.memory_space<semaphore_mem>>) src(%dma_wait3A_176 : memref<4x100x32xf32, #tpu.memory_space<vmem>>) dst(%dma_wait3A_171 : memref<4x100x32xf32, #tpu.memory_space<hbm>>)
    %dma_wait3A_177 = arith.constant 2 : i32
    %dma_wait3A_178 = arith.constant 2 : i32
    %dma_wait3A_179 = arith.constant 0 : i32
    %dma_wait3A_180 = arith.constant 0 : i32
    %dma_wait3A_181 = arith.constant 0 : i32
    %dma_wait3A_182 = tpu.memref_slice %arg6[%dma_wait3A_177, %dma_wait3A_179, %dma_wait3A_180, %dma_wait3A_181] : memref<4x4x100x32xf32, #tpu.memory_space<vmem>> -> memref<1x4x100x32xf32, #tpu.memory_space<vmem>>
    %dma_wait3A_183 = tpu.memref_squeeze %dma_wait3A_182 : memref<1x4x100x32xf32, #tpu.memory_space<vmem>> -> memref<4x100x32xf32, #tpu.memory_space<vmem>>
    %dma_wait3A_184 = arith.constant 0 : i32
    %dma_wait3A_185 = arith.constant 0 : i32
    %dma_wait3A_186 = arith.constant 0 : i32
    %dma_wait3A_187 = tpu.memref_slice %arg4[%dma_wait3A_184, %dma_wait3A_185, %dma_wait3A_186] : memref<4096x104x128xf32, #tpu.memory_space<hbm>> -> memref<4x100x32xf32, #tpu.memory_space<hbm>>
    %dma_wait3A_188 = tpu.memref_slice %arg8[%dma_wait3A_178] : memref<4x!tpu.dma_semaphore, #tpu.memory_space<semaphore_mem>> -> memref<1x!tpu.dma_semaphore, #tpu.memory_space<semaphore_mem>>
    %dma_wait3A_189 = tpu.memref_squeeze %dma_wait3A_188 : memref<1x!tpu.dma_semaphore, #tpu.memory_space<semaphore_mem>> -> memref<!tpu.dma_semaphore, #tpu.memory_space<semaphore_mem>>
    %dma_wait3A_190 = arith.constant 0 : i32
    %dma_wait3A_191 = arith.constant 0 : i32
    %dma_wait3A_192 = arith.constant 0 : i32
    %dma_wait3A_193 = tpu.memref_slice %arg4[%dma_wait3A_190, %dma_wait3A_191, %dma_wait3A_192] : memref<4096x104x128xf32, #tpu.memory_space<hbm>> -> memref<4x100x32xf32, #tpu.memory_space<hbm>>
    %dma_wait3A_194 = arith.constant 0 : i32
    %dma_wait3A_195 = arith.constant 0 : i32
    %dma_wait3A_196 = arith.constant 0 : i32
    %dma_wait3A_197 = tpu.memref_slice %arg6[%dma_wait3A_177, %dma_wait3A_194, %dma_wait3A_195, %dma_wait3A_196] : memref<4x4x100x32xf32, #tpu.memory_space<vmem>> -> memref<1x4x100x32xf32, #tpu.memory_space<vmem>>
    %dma_wait3A_198 = tpu.memref_squeeze %dma_wait3A_197 : memref<1x4x100x32xf32, #tpu.memory_space<vmem>> -> memref<4x100x32xf32, #tpu.memory_space<vmem>>
    tpu.wait_dma2 semaphore(%dma_wait3A_189 : memref<!tpu.dma_semaphore, #tpu.memory_space<semaphore_mem>>) src(%dma_wait3A_198 : memref<4x100x32xf32, #tpu.memory_space<vmem>>) dst(%dma_wait3A_193 : memref<4x100x32xf32, #tpu.memory_space<hbm>>)
    %dma_wait3A_199 = arith.constant 3 : i32
    %dma_wait3A_200 = arith.constant 3 : i32
    %dma_wait3A_201 = arith.constant 0 : i32
    %dma_wait3A_202 = arith.constant 0 : i32
    %dma_wait3A_203 = arith.constant 0 : i32
    %dma_wait3A_204 = tpu.memref_slice %arg6[%dma_wait3A_199, %dma_wait3A_201, %dma_wait3A_202, %dma_wait3A_203] : memref<4x4x100x32xf32, #tpu.memory_space<vmem>> -> memref<1x4x100x32xf32, #tpu.memory_space<vmem>>
    %dma_wait3A_205 = tpu.memref_squeeze %dma_wait3A_204 : memref<1x4x100x32xf32, #tpu.memory_space<vmem>> -> memref<4x100x32xf32, #tpu.memory_space<vmem>>
    %dma_wait3A_206 = arith.constant 0 : i32
    %dma_wait3A_207 = arith.constant 0 : i32
    %dma_wait3A_208 = arith.constant 0 : i32
    %dma_wait3A_209 = tpu.memref_slice %arg4[%dma_wait3A_206, %dma_wait3A_207, %dma_wait3A_208] : memref<4096x104x128xf32, #tpu.memory_space<hbm>> -> memref<4x100x32xf32, #tpu.memory_space<hbm>>
    %dma_wait3A_210 = tpu.memref_slice %arg8[%dma_wait3A_200] : memref<4x!tpu.dma_semaphore, #tpu.memory_space<semaphore_mem>> -> memref<1x!tpu.dma_semaphore, #tpu.memory_space<semaphore_mem>>
    %dma_wait3A_211 = tpu.memref_squeeze %dma_wait3A_210 : memref<1x!tpu.dma_semaphore, #tpu.memory_space<semaphore_mem>> -> memref<!tpu.dma_semaphore, #tpu.memory_space<semaphore_mem>>
    %dma_wait3A_212 = arith.constant 0 : i32
    %dma_wait3A_213 = arith.constant 0 : i32
    %dma_wait3A_214 = arith.constant 0 : i32
    %dma_wait3A_215 = tpu.memref_slice %arg4[%dma_wait3A_212, %dma_wait3A_213, %dma_wait3A_214] : memref<4096x104x128xf32, #tpu.memory_space<hbm>> -> memref<4x100x32xf32, #tpu.memory_space<hbm>>
    %dma_wait3A_216 = arith.constant 0 : i32
    %dma_wait3A_217 = arith.constant 0 : i32
    %dma_wait3A_218 = arith.constant 0 : i32
    %dma_wait3A_219 = tpu.memref_slice %arg6[%dma_wait3A_199, %dma_wait3A_216, %dma_wait3A_217, %dma_wait3A_218] : memref<4x4x100x32xf32, #tpu.memory_space<vmem>> -> memref<1x4x100x32xf32, #tpu.memory_space<vmem>>
    %dma_wait3A_220 = tpu.memref_squeeze %dma_wait3A_219 : memref<1x4x100x32xf32, #tpu.memory_space<vmem>> -> memref<4x100x32xf32, #tpu.memory_space<vmem>>
    tpu.wait_dma2 semaphore(%dma_wait3A_211 : memref<!tpu.dma_semaphore, #tpu.memory_space<semaphore_mem>>) src(%dma_wait3A_220 : memref<4x100x32xf32, #tpu.memory_space<vmem>>) dst(%dma_wait3A_215 : memref<4x100x32xf32, #tpu.memory_space<hbm>>)
    return
  }
}

</mosaic_0001>

<sc_bundles>
// kernel: _gather_sc.3.cloned.1.call-start
scs
__scs_entry_jumppad:
0x0: {  	(pc) =	sbr.rel $0x88, $3  }
0x1: {  	(tag) =	ssettag $0x0;
	lr =	simm.s32 $0x1  }
0x2: {  	[smem:$0x3F9F] =	sst lr;
	_ =	strace $0xD0000000  }
0x3: {  	_ = 	snop  }
0x4: {  	_ = 	snop  }
0x5: {  	_ = 	snop  }
0x6: {  	_ = 	snop  }
0x7: {  	_ = 	snop  }
__scs_overlays_trampoline_lowered:
0x8: {  	[smem:$0x3FAE] =	sst s0  }
0x9: {  	[smem:$0x3FAF] =	sst s1  }
0xa: {  	[smem:$0x3FB0] =	sst s2  }
0xb: {  	[smem:$0x3FB1] =	sst s3  }
0xc: {  	[smem:$0x3FB2] =	sst s4  }
0xd: {  	[smem:$0x3FB3] =	sst s5  }
0xe: {  	[smem:$0x3FB4] =	sst s6  }
0xf: {  	[smem:$0x3FB5] =	sst s7  }
0x10: {  	[smem:$0x3FB6] =	sst s8  }
0x11: {  	[smem:$0x3FB7] =	sst s9;
	s0 =	simm.s32 @!p0 $0x0  }
0x12: {  	s1 =	sld [smem:$0x3F9D];
	s0 =	simm.s32 @p0 $0x1  }
0x13: {  	[smem:$0x3FB8] =	sst s0;
	s0 =	simm.s32 @!p1 $0x0  }
0x14: {  	s2 =	sld [smem:$0x3F9C];
	s0 =	simm.s32 @p1 $0x1  }
0x15: {  	[smem:$0x3FB9] =	sst s0;
	s0 =	simm.s32 @!p2 $0x0  }
0x16: {  	s3 =	sld [smem:$0x3FDB];
	s0 =	simm.s32 @p2 $0x1  }
0x17: {  	s4 =	simm.s32 $0x1BF5;
	[smem:$0x3FBB] =	sst s0  }
0x18: {  	s0 =	sld [smem:$0x3F9E];
	_ =	swait.ge [sflag:s4], $0x0  }
0x19: {  	s7 =	sld [smem:$0x3F9F]  }
0x1a: {  	s8 =	sadd.s32 $0xFFFFE003, lr  }
0x1b: {  	s9 =	sadd.s32 $0xFFFFFEF7, lr;
	s5 =	simm.s32 $0xFFFFFFFF;
	p2 =	slt.u32 s8, $0xFFFFF086  }
0x1c: {  	p1 =	slt.u32 s9, $0xF7A;
	s5 =	simm.s32 @!p2 $0x0  }
0x1d: {  	s5 =	simm.s32 @p1 $0x1;
	p0 =	seq.s32 s7, s2  }
0x1e: {  	s7 =	smul.u32 @!p0 $0xF7A, s2;
	p2 =	seq.s32 @!p0 s5, $0x0  }
0x1f: {  	s9 =	smul.u32 $0xF7A, s1;
	s8 =	simm.s32 @!p0 $0x1BF5;
	p2 =	por !p2, p0  }
0x20: {  	[sflag:s8] =	ssyncset.s32 @!p0 $0xFFFFF086;
	s6 =	sadd.s32 @!p0 s3, s7;
	s7 =	simm.s32 @!p0 $0x108  }
0x21: {  	s3 =	sadd.s32 s3, s9;
	s6 =	sadd.s32 @!p0 $0x88, s6;
	s7 =	simm.s32 @p2 $0x1082  }
0x22: {  	[simem:s7], [sflag:s8] =	dma.local @!p0 [hbm:s6], $0xF7A  }
0x23: {  	s9 =	sor.u32 $0xD0000000, s2;
	s6 =	simm.s32 $0x108;
	_ =	swait.ge @!p0 [sflag:s8], $0x0  }
0x24: {  	s3 =	sadd.s32 $0x88, s3;
	s6 =	simm.s32 @!p1 $0x1082;
	[sflag:s4] =	ssyncset.s32 $0xFFFFF086  }
0x25: {  	[simem:s6], [sflag:s4] =	dma.local [hbm:s3], $0xF7A  }
0x26: {  	[smem:$0x3F9F] =	sst s1;
	(tag) =	ssettag s2;
	_ =	strace s9  }
0x27: {  	s1 =	sld [smem:$0x3FAF]  }
0x28: {  	s2 =	sld [smem:$0x3FB0]  }
0x29: {  	s4 =	sld [smem:$0x3FB2]  }
0x2a: {  	p0 =	seq.s32 s5, $0x0;
	s5 =	sld [smem:$0x3FB3]  }
0x2b: {  	s6 =	sld [smem:$0x3FB4]  }
0x2c: {  	s7 =	sld [smem:$0x3FB5]  }
0x2d: {  	s3 =	simm.s32 $0x108;
	s8 =	sld [smem:$0x3FB6]  }
0x2e: {  	s3 =	simm.s32 @!p0 $0x1082;
	s9 =	sld [smem:$0x3FB7]  }
0x2f: {  	lr =	sadd.s32 s0, s3;
	s0 =	sld [smem:$0x3FAE]  }
0x30: {  	s3 =	sld [smem:$0x3FB1]  }
0x31: {  	[smem:$0x3FBA] =	sst s10  }
0x32: {  	s10 =	sld [smem:$0x3FB8];
	_ =	sdelay $0x3  }
0x33: {  	p0 =	seq.s32 s10, $0x1;
	s10 =	sld [smem:$0x3FBA];
	_ =	sdelay $0x3  }
0x34: {  	[smem:$0x3FBA] =	sst s10  }
0x35: {  	s10 =	sld [smem:$0x3FB9];
	_ =	sdelay $0x3  }
0x36: {  	p1 =	seq.s32 s10, $0x1;
	s10 =	sld [smem:$0x3FBA];
	_ =	sdelay $0x3  }
0x37: {  	[smem:$0x3FBA] =	sst s10  }
0x38: {  	s10 =	sld [smem:$0x3FBB]  }
0x39: {  	_ = 	snop;
	(pc) =	sbr.ind lr, $3  }
0x3a: {  	_ = 	snop  }
0x3b: {  	_ = 	snop  }
0x3c: {  	p2 =	seq.s32 s10, $0x1;
	s10 =	sld [smem:$0x3FBA]  }
0x3d: {  	_ =	shalt  }
0x3e: {  	_ =	shalt  }
0x3f: {  	_ =	shalt  }
0x40: {  	_ =	shalt  }
0x41: {  	_ =	shalt  }
0x42: {  	_ =	shalt  }
0x43: {  	_ =	shalt  }
0x44: {  	_ =	shalt  }
0x45: {  	_ =	shalt  }
0x46: {  	_ =	shalt  }
0x47: {  	_ =	shalt  }
0x48: {  	_ =	shalt  }
0x49: {  	_ =	shalt  }
0x4a: {  	_ =	shalt  }
0x4b: {  	_ =	shalt  }
0x4c: {  	_ =	shalt  }
0x4d: {  	_ =	shalt  }
0x4e: {  	_ =	shalt  }
0x4f: {  	_ =	shalt  }
0x50: {  	_ =	shalt  }
0x51: {  	_ =	shalt  }
0x52: {  	_ =	shalt  }
0x53: {  	_ =	shalt  }
0x54: {  	_ =	shalt  }
0x55: {  	_ =	shalt  }
0x56: {  	_ =	shalt  }
0x57: {  	_ =	shalt  }
0x58: {  	_ =	shalt  }
0x59: {  	_ =	shalt  }
0x5a: {  	_ =	shalt  }
0x5b: {  	_ =	shalt  }
0x5c: {  	_ =	shalt  }
0x5d: {  	_ =	shalt  }
0x5e: {  	_ =	shalt  }
0x5f: {  	_ =	shalt  }
0x60: {  	_ =	shalt  }
0x61: {  	_ =	shalt  }
0x62: {  	_ =	shalt  }
0x63: {  	_ =	shalt  }
0x64: {  	_ =	shalt  }
0x65: {  	_ =	shalt  }
0x66: {  	_ =	shalt  }
0x67: {  	_ =	shalt  }
0x68: {  	_ =	shalt  }
0x69: {  	_ =	shalt  }
0x6a: {  	_ =	shalt  }
0x6b: {  	_ =	shalt  }
0x6c: {  	_ =	shalt  }
0x6d: {  	_ =	shalt  }
0x6e: {  	_ =	shalt  }
0x6f: {  	_ =	shalt  }
0x70: {  	_ =	shalt  }
0x71: {  	_ =	shalt  }
0x72: {  	_ =	shalt  }
0x73: {  	_ =	shalt  }
0x74: {  	_ =	shalt  }
0x75: {  	_ =	shalt  }
0x76: {  	_ =	shalt  }
0x77: {  	_ =	shalt  }
0x78: {  	_ =	shalt  }
0x79: {  	_ =	shalt  }
0x7a: {  	_ =	shalt  }
0x7b: {  	_ =	shalt  }
0x7c: {  	_ =	shalt  }
0x7d: {  	_ =	shalt  }
0x7e: {  	_ =	shalt  }
0x7f: {  	_ =	shalt  }
0x80: {  	_ =	shalt  }
0x81: {  	_ =	shalt  }
0x82: {  	_ =	shalt  }
0x83: {  	_ =	shalt  }
0x84: {  	_ =	shalt  }
0x85: {  	_ =	shalt  }
0x86: {  	_ =	shalt  }
0x87: {  	_ =	shalt  }
.Lfunc_end0:
.L_simem_size_0:
called_computation_lowered:
.L_overlay_start_0:
0x88: {  	s2 =	sld [smem:$0x3FD9]  }
0x89: {  	s3 =	sld [smem:$0x3FFE];
	_ =	sdelay $0x1  }
0x8a: {  	s1 =	srdreg.scid  }
0x8b: {  	s0 =	sand.u32 $0x1, s1  }
0x8c: {  	s17 =	sshll.u32 s0, $0xA;
	s2 =	sadd.s32 s3, s2  }
0x8d: {  	s2 =	sadd.s32 s2, s17  }
0x8e: {  	[smem:$0x3FC6] =	sst s2  }
0x8f: {  	_ = 	snop  }
0x90: {  	s2 =	sld [smem:$0x3FD0];
	(tm) =	ssettm $0x1  }
0x91: {  	s18 =	sld [smem:$0x3FFB];
	_ =	sdelay $0x3  }
0x92: {  	_ =	strace s18  }
0x93: {  	s3 =	sld [smem:$0x3FFC];
	_ =	sdelay $0x3  }
0x94: {  	_ =	strace s3  }
0x95: {  	s3 =	sld [smem:$0x3FFD];
	_ =	sdelay $0x3  }
0x96: {  	_ =	strace s3  }
0x97: {  	_ =	strace $0x8FFFFFFF  }
0x98: {  	s19 =	sld [smem:$0x3FDB];
	_ =	sdelay $0x1  }
0x99: {  	s4 =	simm.s32 $_scs_section_size  }
0x9a: {  	s5 =	simm.s32 $_size__tile_overlayer_lowered;
	s6 =	simm.s32 $_tile_overlayer_lowered  }
0x9b: {  	s22 =	simm.s32 $0x1BFF;
	s21 =	sshll.u32 s6, $0x1;
	s3 =	sadd.s32 s4, s19  }
0x9c: {  	s7 =	simm.s32 $0x0;
	s20 =	sshll.u32 s5, $0x1;
	s5 =	sadd.s32 s21, s3  }
0x9d: {  	[timem:s7], [sflag:s22] =	dma.local [hbm:s5], s20  }
0x9e: {  	_ =	swait.ge [sflag:s22], s20  }
0x9f: {  	s4 =	ssub.s32 $0x0, s20;
	[sflag:s22] =	ssyncset.done $0x0  }
0xa0: {  	[sflag:s22] =	ssyncadd.s32 s4;
	_ =	sdelay $0x1  }
0xa1: {  	s23 =	simm.s32 $0x1B8B  }
0xa2: {  	_ =	swait.ge [sflag:s23], $0x1  }
0xa3: {  	[sflag:s23] =	ssyncset.done $0x0  }
0xa4: {  	s25 =	simm.s32 $0x1B8E;
	s24 =	sld [smem:$0x3FFE];
	[sflag:s23] =	ssyncadd.s32 $0xFFFFFFFF  }
0xa5: {  	s26 =	simm.s32 $execute0_lowered;
	[smem:$0x3FD2] =	sst s25  }
0xa6: {  	s5 =	sshll.u32 s26, $0x1;
	_ =	strace $0x80000046;
	[dreg:$0x1] =	wrdreg $0xFFFFFFFF  }
0xa7: {  	s28 =	simm.s32 $_size_execute0_lowered;
	s3 =	sadd.s32 s3, s5;
	[dreg:$0x0] =	wrdreg $0x0  }
0xa8: {  	s5 =	sshll.u32 s28, $0x1;
	[dreg:$0x2] =	wrdreg s3  }
0xa9: {  	[dreg:$0x3] =	wrdreg s5  }
0xaa: {  	[dreg:$0x4] =	wrdreg $0xC0  }
0xab: {  	_ =	task [dreg:s7], $0x5FFFF  }
0xac: {  	[dreg:$0x1] =	wrdreg $0xFFFFFFFF  }
0xad: {  	[dreg:$0x0] =	wrdreg $0x60  }
0xae: {  	[dreg:$0x2] =	wrdreg s24  }
0xaf: {  	[dreg:$0x3] =	wrdreg s2  }
0xb0: {  	[dreg:$0x4] =	wrdreg $0x9  }
0xb1: {  	_ =	task.clear_ibuf [dreg:s7], $0x5FFFF;
	_ =	strace $0x90000046  }
0xb2: {  	s29 =	simm.s32 $0x9;
	_ =	strace $0x80000048  }
0xb3: {  	_ =	swait.ge [sflag:s29], $0x1  }
0xb4: {  	[sflag:s29] =	ssyncadd.s32 $0xFFFFFFFF  }
0xb5: {  	_ =	strace $0x90000048  }
0xb6: {  	_ =	sfence  }
0xb7: {  	s30 =	sld [smem:$0x0];
	_ =	sdelay $0x2  }
0xb8: {  	s31 =	sshll.u32 s1, $0xD;
	s1 =	sshrl.u32 s1, $0x2  }
0xb9: {  	s3 =	sand.u32 $0x4000, s31;
	s1 =	sadd.s32 s1, s30  }
0xba: {  	s0 =	sor.u32 s3, s0;
	s1 =	sshll.u32 s1, $0x11  }
0xbb: {  	s0 =	sor.u32 s1, s0  }
0xbc: {  	s0 =	sadd.s32 $0x8F2B, s0  }
0xbd: {  	[sflag:s0] =	ssyncadd.remote.s32 $0x1  }
0xbe: {  	_ =	sfence.sel $0xFFFF  }
0xbf: {  	[dreg:$0x0] =	wrdreg $0xFFFFFFFF;
	(pc) =	sbr.abs _section_cstart, $3  }
0xc0: {  	[dreg:$0x1] =	wrdreg $0xFFFFFFFF  }
0xc1: {  	_ =	task.clear_ibuf [dreg:s7], $0x2FFFF;
	_ =	strace $0x9FFFFFFF  }
0xc2: {  	(tm) =	ssettm $0x7FFFFFFF  }
0xc3: {  	_ =	shalt  }
tec
execute0_lowered:
.L_overlay_start_1:
0x0: {  	(tag) =	ssettag $0x1  }
0x1: {  	s0 =	srdreg.scid  }
0x2: {  	s1 =	rddreg [dreg:$0x0];
	s5 =	stileid.u32  }
0x3: {  	s2 =	rddreg [dreg:$0x1];
	s6 =	simm.s32 $0x0;
	s8 =	simm.s32 $0x64  }
0x4: {  	s28 =	simm.s32 $0xBD80;
	s29 =	simm.s32 $0x1;
	s30 =	simm.s32 $0x20  }
0x5: {  	s31 =	simm.s32 $0x80;
	s10 =	simm.s32 $0xE300;
	s12 =	simm.s32 $0xEF80  }
0x6: {  	s14 =	simm.s32 $0x2;
	s16 =	simm.s32 $0x3;
	s18 =	simm.s32 $0x4  }
0x7: {  	s19 =	simm.s32 $0x3400;
	s21 =	simm.s32 $0x4080;
	s0 =	sand.u32 $0x1, s0  }
0x8: {  	s3 =	sshll.u32 s5, $0x8;
	[smem:$0x7FF] =	sst s6;
	s5 =	smul.u32 $0x68000, s5  }
0x9: {  	s4 =	sshll.u32 s0, $0x7;
	_ =	strace $0x80000047;
	s23 =	ssub.s32 $0x2, s0  }
0xa: {  	s0 =	smul.u32 $0x34000, s0;
	s3 =	sor.u32 s4, s3;
	s7 =	sshrl.u32 s23, $0x1  }
0xb: {  	s2 =	sadd.s32 s5, s2;
	s5 =	simm.s32 $0x0;
	s3 =	smul.u32 $0xD, s3  }
0xc: {  	s25 =	ssub.s32 s23, s7;
	s0 =	sadd.s32 s0, s2;
	s23 =	simm.s32 $0x4D00  }
0xd: {  	[dreg:$0x5] =	wrdreg s0;
	s0 =	simm.s32 $0xD680;
	s24 =	sadd.s32 s3, s1  }
0xe: {  	s3 =	sadd.s32 $0xF42A00, s1;
	s1 =	smax.u32 s25, $0x1;
	s25 =	simm.s32 $0xA480  }
0xf: {  	s26 =	sadd.s32 $0x600, s24;
	[dreg:$0x4] =	wrdreg s1;
	s24 =	simm.s32 $0x9800  }
0x10: {  	s1 =	simm.s32 $0xCA00;
	[dreg:$0x3] =	wrdreg s26;
	s26 =	simm.s32 $0xB100  }
.LBB2_1:
0x11: {  	[dreg:$0x6] =	wrdreg s5  }
0x12: {  	s2 =	simm.s32 $0x0;
	s4 =	rddreg [dreg:$0x3];
	s6 =	simm.s32 $0x9  }
0x13: {  	[tilespmem:s2], [sflag:$0x9] =	stream.linear.gather [hbm4b:s4+s2], $0x3400, $0x38;
	[tilespmem:$0xFC00] =	vst v63  }
0x14: {  	_ =	swait.ge [sflag:s6], $0x3400  }
0x15: {  	[sflag:s6] =	ssyncset.done $0x0  }
0x16: {  	s4 =	simm.s32 $0x3400;
	[sflag:s6] =	ssyncadd.s32 $0xFFFFCC00  }
0x17: {  	[tilespmem:s4], [sflag:$0x1] =	stream.indirect.gather [hbm4b:s3+s8], $0x20, s2, s8, $0xb8;
	[tilespmem:$0xFC00] =	vst v63  }
0x18: {  	s7 =	simm.s32 $0x68;
	s5 =	simm.s32 $0x4080  }
0x19: {  	[tilespmem:s5], [sflag:$0x1] =	stream.indirect.gather [hbm4b:s3+s8], $0x20, s7, s8, $0xb8;
	[tilespmem:$0xFC00] =	vst v63  }
0x1a: {  	s9 =	simm.s32 $0xD0;
	s7 =	simm.s32 $0x4D00  }
0x1b: {  	[tilespmem:s7], [sflag:$0x1] =	stream.indirect.gather [hbm4b:s3+s8], $0x20, s9, s8, $0xb8;
	[tilespmem:$0xFC00] =	vst v63  }
0x1c: {  	s11 =	simm.s32 $0x138;
	s9 =	simm.s32 $0x5980  }
0x1d: {  	[tilespmem:s9], [sflag:$0x1] =	stream.indirect.gather [hbm4b:s3+s8], $0x20, s11, s8, $0xb8;
	[tilespmem:$0xFC00] =	vst v63  }
0x1e: {  	s13 =	simm.s32 $0x1A0;
	s11 =	simm.s32 $0x6600  }
0x1f: {  	[tilespmem:s11], [sflag:$0x2] =	stream.indirect.gather [hbm4b:s3+s8], $0x20, s13, s8, $0xb8;
	[tilespmem:$0xFC00] =	vst v63  }
0x20: {  	s15 =	simm.s32 $0x208;
	p0 =	por $0x1, $0x1;
	s13 =	simm.s32 $0x7280  }
0x21: {  	[tilespmem:s13], [sflag:$0x2] =	stream.indirect.gather [hbm4b:s3+s8], $0x20, s15, s8, $0xb8;
	[tilespmem:$0xFC00] =	vst v63  }
0x22: {  	s17 =	simm.s32 $0x270;
	p0 =	por p0, p0;
	s15 =	simm.s32 $0x7F00  }
0x23: {  	[tilespmem:s15], [sflag:$0x2] =	stream.indirect.gather [hbm4b:s3+s8], $0x20, s17, s8, $0xb8;
	[tilespmem:$0xFC00] =	vst v63  }
0x24: {  	s20 =	simm.s32 $0x2D8;
	s2 =	simm.s32 @!p0 $0x7;
	s17 =	simm.s32 $0x8B80  }
0x25: {  	[tilespmem:s17], [sflag:$0x2] =	stream.indirect.gather [hbm4b:s3+s8], $0x20, s20, s8, $0xb8;
	[tilespmem:$0xFC00] =	vst v63  }
0x26: {  	_ =	swait.ge @!p0 [sflag:s2], $0x3200  }
0x27: {  	[sflag:s2] =	ssyncset.done @!p0 $0x0  }
0x28: {  	s22 =	simm.s32 $0x340;
	[sflag:s2] =	ssyncadd.s32 @!p0 $0xFFFFCE00  }
0x29: {  	[tilespmem:s24], [sflag:$0x3] =	stream.indirect.gather [hbm4b:s3+s8], $0x20, s22, s8, $0xb8;
	[tilespmem:$0xFC00] =	vst v63  }
0x2a: {  	s6 =	simm.s32 $0x3A8  }
0x2b: {  	[tilespmem:s25], [sflag:$0x3] =	stream.indirect.gather [hbm4b:s3+s8], $0x20, s6, s8, $0xb8;
	[tilespmem:$0xFC00] =	vst v63  }
0x2c: {  	s20 =	simm.s32 $0x410  }
0x2d: {  	[tilespmem:s26], [sflag:$0x3] =	stream.indirect.gather [hbm4b:s3+s8], $0x20, s20, s8, $0xb8;
	[tilespmem:$0xFC00] =	vst v63  }
0x2e: {  	s22 =	simm.s32 $0x478  }
0x2f: {  	[tilespmem:s28], [sflag:$0x3] =	stream.indirect.gather [hbm4b:s3+s8], $0x20, s22, s8, $0xb8;
	[tilespmem:$0xFC00] =	vst v63  }
0x30: {  	_ =	swait.ge [sflag:s29], $0xC80  }
0x31: {  	[sflag:s29] =	ssyncset.done $0x0  }
0x32: {  	[sflag:s29] =	ssyncadd.s32 $0xFFFFF380  }
0x33: {  	_ =	swait.ge [sflag:s29], $0xC80  }
0x34: {  	[sflag:s29] =	ssyncset.done $0x0  }
0x35: {  	[sflag:s29] =	ssyncadd.s32 $0xFFFFF380  }
0x36: {  	_ =	swait.ge [sflag:s29], $0xC80  }
0x37: {  	[sflag:s29] =	ssyncset.done $0x0  }
0x38: {  	[sflag:s29] =	ssyncadd.s32 $0xFFFFF380  }
0x39: {  	_ =	swait.ge [sflag:s29], $0xC80  }
0x3a: {  	[sflag:s29] =	ssyncset.done $0x0  }
0x3b: {  	s6 =	rddreg [dreg:$0x5];
	[sflag:s29] =	ssyncadd.s32 $0xFFFFF380  }
0x3c: {  	[hbm4b:s6+s30] =	stream.strided.scatter [tilespmem:s4], [sflag:$0x5], $0xC80, s31, s30, $0x38;
	[tilespmem:$0xFC00] =	vst v63  }
0x3d: {  	s4 =	sadd.s32 $0x680, s6  }
0x3e: {  	[hbm4b:s4+s30] =	stream.strided.scatter [tilespmem:s5], [sflag:$0x5], $0xC80, s31, s30, $0x38;
	[tilespmem:$0xFC00] =	vst v63  }
0x3f: {  	s20 =	sadd.s32 $0xD00, s6  }
0x40: {  	[hbm4b:s20+s30] =	stream.strided.scatter [tilespmem:s7], [sflag:$0x5], $0xC80, s31, s30, $0x38;
	[tilespmem:$0xFC00] =	vst v63  }
0x41: {  	s22 =	sadd.s32 $0x1380, s6;
	s4 =	simm.s32 @!p0 $0x8  }
0x42: {  	[hbm4b:s22+s30] =	stream.strided.scatter [tilespmem:s9], [sflag:$0x5], $0xC80, s31, s30, $0x38;
	[tilespmem:$0xFC00] =	vst v63  }
0x43: {  	_ =	swait.ge @!p0 [sflag:s4], $0x3200  }
0x44: {  	[sflag:s4] =	ssyncset.done @!p0 $0x0  }
0x45: {  	s5 =	simm.s32 $0x4E0;
	[sflag:s4] =	ssyncadd.s32 @!p0 $0xFFFFCE00  }
0x46: {  	[tilespmem:s1], [sflag:$0x4] =	stream.indirect.gather [hbm4b:s3+s8], $0x20, s5, s8, $0xb8;
	[tilespmem:$0xFC00] =	vst v63  }
0x47: {  	s7 =	simm.s32 $0x548  }
0x48: {  	[tilespmem:s0], [sflag:$0x4] =	stream.indirect.gather [hbm4b:s3+s8], $0x20, s7, s8, $0xb8;
	[tilespmem:$0xFC00] =	vst v63  }
0x49: {  	s9 =	simm.s32 $0x5B0  }
0x4a: {  	[tilespmem:s10], [sflag:$0x4] =	stream.indirect.gather [hbm4b:s3+s8], $0x20, s9, s8, $0xb8;
	[tilespmem:$0xFC00] =	vst v63  }
0x4b: {  	s20 =	simm.s32 $0x618  }
0x4c: {  	[tilespmem:s12], [sflag:$0x4] =	stream.indirect.gather [hbm4b:s3+s8], $0x20, s20, s8, $0xb8;
	[tilespmem:$0xFC00] =	vst v63  }
0x4d: {  	_ =	swait.ge [sflag:s14], $0xC80  }
0x4e: {  	[sflag:s14] =	ssyncset.done $0x0  }
0x4f: {  	[sflag:s14] =	ssyncadd.s32 $0xFFFFF380  }
0x50: {  	_ =	swait.ge [sflag:s14], $0xC80  }
0x51: {  	[sflag:s14] =	ssyncset.done $0x0  }
0x52: {  	[sflag:s14] =	ssyncadd.s32 $0xFFFFF380  }
0x53: {  	_ =	swait.ge [sflag:s14], $0xC80  }
0x54: {  	[sflag:s14] =	ssyncset.done $0x0  }
0x55: {  	[sflag:s14] =	ssyncadd.s32 $0xFFFFF380  }
0x56: {  	_ =	swait.ge [sflag:s14], $0xC80  }
0x57: {  	[sflag:s14] =	ssyncset.done $0x0  }
0x58: {  	s22 =	sadd.s32 $0x1A00, s6;
	[sflag:s14] =	ssyncadd.s32 $0xFFFFF380  }
0x59: {  	[hbm4b:s22+s30] =	stream.strided.scatter [tilespmem:s11], [sflag:$0x6], $0xC80, s31, s30, $0x38;
	[tilespmem:$0xFC00] =	vst v63  }
0x5a: {  	s4 =	sadd.s32 $0x2080, s6  }
0x5b: {  	[hbm4b:s4+s30] =	stream.strided.scatter [tilespmem:s13], [sflag:$0x6], $0xC80, s31, s30, $0x38;
	[tilespmem:$0xFC00] =	vst v63  }
0x5c: {  	p0 =	por $0x0, $0x0;
	s5 =	sadd.s32 $0x2700, s6  }
0x5d: {  	[hbm4b:s5+s30] =	stream.strided.scatter [tilespmem:s15], [sflag:$0x6], $0xC80, s31, s30, $0x38;
	[tilespmem:$0xFC00] =	vst v63  }
0x5e: {  	s2 =	simm.s32 @!p0 $0x5;
	s7 =	sadd.s32 $0x2D80, s6  }
0x5f: {  	[hbm4b:s7+s30] =	stream.strided.scatter [tilespmem:s17], [sflag:$0x6], $0xC80, s31, s30, $0x38;
	[tilespmem:$0xFC00] =	vst v63  }
0x60: {  	_ =	swait.ge @!p0 [sflag:s2], $0x3200  }
0x61: {  	s4 =	simm.s32 @!p0 $0x680;
	[sflag:s2] =	ssyncset.done @!p0 $0x0  }
0x62: {  	s5 =	simm.s32 @!p0 $0x64;
	s7 =	simm.s32 @!p0 $0x3400;
	[sflag:s2] =	ssyncadd.s32 @!p0 $0xFFFFCE00  }
0x63: {  	[tilespmem:s7], [sflag:$0x1] =	stream.indirect.gather @!p0 [hbm4b:s3+s5], $0x20, s4, s5, $0xb8;
	[tilespmem:$0xFC00] =	vst v63  }
0x64: {  	s2 =	simm.s32 @!p0 $0x6E8;
	s4 =	simm.s32 @!p0 $0x4080  }
0x65: {  	[tilespmem:s4], [sflag:$0x1] =	stream.indirect.gather @!p0 [hbm4b:s3+s5], $0x20, s2, s5, $0xb8;
	[tilespmem:$0xFC00] =	vst v63  }
0x66: {  	s2 =	simm.s32 @!p0 $0x750;
	s4 =	simm.s32 @!p0 $0x4D00  }
0x67: {  	[tilespmem:s4], [sflag:$0x1] =	stream.indirect.gather @!p0 [hbm4b:s3+s5], $0x20, s2, s5, $0xb8;
	[tilespmem:$0xFC00] =	vst v63  }
0x68: {  	s2 =	simm.s32 @!p0 $0x7B8;
	s4 =	simm.s32 @!p0 $0x5980  }
0x69: {  	[tilespmem:s4], [sflag:$0x1] =	stream.indirect.gather @!p0 [hbm4b:s3+s5], $0x20, s2, s5, $0xb8;
	[tilespmem:$0xFC00] =	vst v63  }
0x6a: {  	_ =	swait.ge [sflag:s16], $0xC80  }
0x6b: {  	[sflag:s16] =	ssyncset.done $0x0  }
0x6c: {  	[sflag:s16] =	ssyncadd.s32 $0xFFFFF380  }
0x6d: {  	_ =	swait.ge [sflag:s16], $0xC80  }
0x6e: {  	[sflag:s16] =	ssyncset.done $0x0  }
0x6f: {  	[sflag:s16] =	ssyncadd.s32 $0xFFFFF380  }
0x70: {  	_ =	swait.ge [sflag:s16], $0xC80  }
0x71: {  	[sflag:s16] =	ssyncset.done $0x0  }
0x72: {  	[sflag:s16] =	ssyncadd.s32 $0xFFFFF380  }
0x73: {  	_ =	swait.ge [sflag:s16], $0xC80  }
0x74: {  	[sflag:s16] =	ssyncset.done $0x0  }
0x75: {  	s9 =	sadd.s32 $0x3400, s6;
	[sflag:s16] =	ssyncadd.s32 $0xFFFFF380  }
0x76: {  	[hbm4b:s9+s30] =	stream.strided.scatter [tilespmem:s24], [sflag:$0x7], $0xC80, s31, s30, $0x38;
	[tilespmem:$0xFC00] =	vst v63  }
0x77: {  	s11 =	sadd.s32 $0x3A80, s6  }
0x78: {  	[hbm4b:s11+s30] =	stream.strided.scatter [tilespmem:s25], [sflag:$0x7], $0xC80, s31, s30, $0x38;
	[tilespmem:$0xFC00] =	vst v63  }
0x79: {  	s13 =	sadd.s32 $0x4100, s6  }
0x7a: {  	[hbm4b:s13+s30] =	stream.strided.scatter [tilespmem:s26], [sflag:$0x7], $0xC80, s31, s30, $0x38;
	[tilespmem:$0xFC00] =	vst v63  }
0x7b: {  	s15 =	sadd.s32 $0x4780, s6;
	s4 =	simm.s32 @!p0 $0x6  }
0x7c: {  	[hbm4b:s15+s30] =	stream.strided.scatter [tilespmem:s28], [sflag:$0x7], $0xC80, s31, s30, $0x38;
	[tilespmem:$0xFC00] =	vst v63  }
0x7d: {  	_ =	swait.ge @!p0 [sflag:s4], $0x3200  }
0x7e: {  	[sflag:s4] =	ssyncset.done @!p0 $0x0  }
0x7f: {  	s7 =	simm.s32 @!p0 $0x6600;
	s2 =	simm.s32 @!p0 $0x820;
	[sflag:s4] =	ssyncadd.s32 @!p0 $0xFFFFCE00  }
0x80: {  	[tilespmem:s7], [sflag:$0x2] =	stream.indirect.gather @!p0 [hbm4b:s3+s5], $0x20, s2, s5, $0xb8;
	[tilespmem:$0xFC00] =	vst v63  }
0x81: {  	s4 =	simm.s32 @!p0 $0x7280;
	s2 =	simm.s32 @!p0 $0x888  }
0x82: {  	[tilespmem:s4], [sflag:$0x2] =	stream.indirect.gather @!p0 [hbm4b:s3+s5], $0x20, s2, s5, $0xb8;
	[tilespmem:$0xFC00] =	vst v63  }
0x83: {  	s2 =	simm.s32 @!p0 $0x8F0;
	s4 =	simm.s32 @!p0 $0x7F00  }
0x84: {  	[tilespmem:s4], [sflag:$0x2] =	stream.indirect.gather @!p0 [hbm4b:s3+s5], $0x20, s2, s5, $0xb8;
	[tilespmem:$0xFC00] =	vst v63  }
0x85: {  	s2 =	simm.s32 @!p0 $0x958;
	s4 =	simm.s32 @!p0 $0x8B80  }
0x86: {  	[tilespmem:s4], [sflag:$0x2] =	stream.indirect.gather @!p0 [hbm4b:s3+s5], $0x20, s2, s5, $0xb8;
	[tilespmem:$0xFC00] =	vst v63  }
0x87: {  	_ =	swait.ge [sflag:s18], $0xC80  }
0x88: {  	[sflag:s18] =	ssyncset.done $0x0  }
0x89: {  	[sflag:s18] =	ssyncadd.s32 $0xFFFFF380  }
0x8a: {  	_ =	swait.ge [sflag:s18], $0xC80  }
0x8b: {  	[sflag:s18] =	ssyncset.done $0x0  }
0x8c: {  	[sflag:s18] =	ssyncadd.s32 $0xFFFFF380  }
0x8d: {  	_ =	swait.ge [sflag:s18], $0xC80  }
0x8e: {  	[sflag:s18] =	ssyncset.done $0x0  }
0x8f: {  	[sflag:s18] =	ssyncadd.s32 $0xFFFFF380  }
0x90: {  	_ =	swait.ge [sflag:s18], $0xC80  }
0x91: {  	[sflag:s18] =	ssyncset.done $0x0  }
0x92: {  	s17 =	sadd.s32 $0x4E00, s6;
	[sflag:s18] =	ssyncadd.s32 $0xFFFFF380  }
0x93: {  	[hbm4b:s17+s30] =	stream.strided.scatter [tilespmem:s1], [sflag:$0x8], $0xC80, s31, s30, $0x38;
	[tilespmem:$0xFC00] =	vst v63  }
0x94: {  	p6 =	por $0x0, $0x0;
	s20 =	sadd.s32 $0x5480, s6  }
0x95: {  	[hbm4b:s20+s30] =	stream.strided.scatter [tilespmem:s0], [sflag:$0x8], $0xC80, s31, s30, $0x38;
	[tilespmem:$0xFC00] =	vst v63  }
0x96: {  	s22 =	sadd.s32 $0x5B00, s6;
	s7 =	sadd.s32 $0x6800, s6;
	p0 =	por p6, p6  }
0x97: {  	[hbm4b:s22+s30] =	stream.strided.scatter [tilespmem:s10], [sflag:$0x8], $0xC80, s31, s30, $0x38;
	[tilespmem:$0xFC00] =	vst v63  }
0x98: {  	s4 =	sadd.s32 $0x6180, s6;
	s20 =	simm.s32 $0x1A00;
	s22 =	simm.s32 $0x3400  }
.LBB2_2:
0x99: {  	p2 =	seq.s32 s22, $0x0  }
0x9a: {  	s5 =	simm.s32 @!p0 $0x7;
	s2 =	smov.u32 s22;
	s22 =	sadd.s32 $0x1A00, s22  }
0x9b: {  	[hbm4b:s4+s30] =	stream.strided.scatter [tilespmem:s12], [sflag:$0x8], $0xC80, s31, s30, $0x38;
	[tilespmem:$0xFC00] =	vst v63  }
0x9c: {  	p1 =	sne.s32 s22, $0xD000;
	_ =	swait.ge @!p0 [sflag:s5], $0x3200  }
0x9d: {  	s4 =	sshra.s32 s20, $0x2;
	[sflag:s5] =	ssyncset.done @!p0 $0x0  }
0x9e: {  	[sflag:s5] =	ssyncadd.s32 @!p0 $0xFFFFCE00;
	s5 =	sadd.s32 $0x340, s4  }
0x9f: {  	[tilespmem:s24], [sflag:$0x3] =	stream.indirect.gather [hbm4b:s3+s8], $0x20, s5, s8, $0xb8;
	[tilespmem:$0xFC00] =	vst v63  }
0xa0: {  	s5 =	sadd.s32 $0x3A8, s4  }
0xa1: {  	[tilespmem:s25], [sflag:$0x3] =	stream.indirect.gather [hbm4b:s3+s8], $0x20, s5, s8, $0xb8;
	[tilespmem:$0xFC00] =	vst v63  }
0xa2: {  	s5 =	sadd.s32 $0x410, s4  }
0xa3: {  	[tilespmem:s26], [sflag:$0x3] =	stream.indirect.gather [hbm4b:s3+s8], $0x20, s5, s8, $0xb8;
	[tilespmem:$0xFC00] =	vst v63  }
0xa4: {  	s5 =	sadd.s32 $0x478, s4  }
0xa5: {  	[tilespmem:s28], [sflag:$0x3] =	stream.indirect.gather [hbm4b:s3+s8], $0x20, s5, s8, $0xb8;
	[tilespmem:$0xFC00] =	vst v63  }
0xa6: {  	_ =	swait.ge [sflag:s29], $0xC80  }
0xa7: {  	[sflag:s29] =	ssyncset.done $0x0  }
0xa8: {  	[sflag:s29] =	ssyncadd.s32 $0xFFFFF380  }
0xa9: {  	_ =	swait.ge [sflag:s29], $0xC80  }
0xaa: {  	[sflag:s29] =	ssyncset.done $0x0  }
0xab: {  	[sflag:s29] =	ssyncadd.s32 $0xFFFFF380  }
0xac: {  	_ =	swait.ge [sflag:s29], $0xC80  }
0xad: {  	[sflag:s29] =	ssyncset.done $0x0  }
0xae: {  	[sflag:s29] =	ssyncadd.s32 $0xFFFFF380  }
0xaf: {  	_ =	swait.ge [sflag:s29], $0xC80  }
0xb0: {  	[sflag:s29] =	ssyncset.done $0x0  }
0xb1: {  	[sflag:s29] =	ssyncadd.s32 $0xFFFFF380  }
0xb2: {  	[hbm4b:s7+s30] =	stream.strided.scatter [tilespmem:s19], [sflag:$0x5], $0xC80, s31, s30, $0x38;
	[tilespmem:$0xFC00] =	vst v63  }
0xb3: {  	s5 =	sadd.s32 $0x680, s7  }
0xb4: {  	[hbm4b:s5+s30] =	stream.strided.scatter [tilespmem:s21], [sflag:$0x5], $0xC80, s31, s30, $0x38;
	[tilespmem:$0xFC00] =	vst v63  }
0xb5: {  	s5 =	sadd.s32 $0xD00, s7  }
0xb6: {  	[hbm4b:s5+s30] =	stream.strided.scatter [tilespmem:s23], [sflag:$0x5], $0xC80, s31, s30, $0x38;
	[tilespmem:$0xFC00] =	vst v63  }
0xb7: {  	s6 =	simm.s32 @!p0 $0x8;
	s9 =	simm.s32 $0x5980;
	s5 =	sadd.s32 $0x1380, s7  }
0xb8: {  	[hbm4b:s5+s30] =	stream.strided.scatter [tilespmem:s9], [sflag:$0x5], $0xC80, s31, s30, $0x38;
	[tilespmem:$0xFC00] =	vst v63  }
0xb9: {  	_ =	swait.ge @!p0 [sflag:s6], $0x3200  }
0xba: {  	[sflag:s6] =	ssyncset.done @!p0 $0x0  }
0xbb: {  	s5 =	sadd.s32 $0x4E0, s4;
	[sflag:s6] =	ssyncadd.s32 @!p0 $0xFFFFCE00;
	p0 =	por p2, p2  }
0xbc: {  	[tilespmem:s1], [sflag:$0x4] =	stream.indirect.gather [hbm4b:s3+s8], $0x20, s5, s8, $0xb8;
	[tilespmem:$0xFC00] =	vst v63  }
0xbd: {  	s5 =	sadd.s32 $0x548, s4  }
0xbe: {  	[tilespmem:s0], [sflag:$0x4] =	stream.indirect.gather [hbm4b:s3+s8], $0x20, s5, s8, $0xb8;
	[tilespmem:$0xFC00] =	vst v63  }
0xbf: {  	s5 =	sadd.s32 $0x5B0, s4  }
0xc0: {  	[tilespmem:s10], [sflag:$0x4] =	stream.indirect.gather [hbm4b:s3+s8], $0x20, s5, s8, $0xb8;
	[tilespmem:$0xFC00] =	vst v63  }
0xc1: {  	s4 =	sadd.s32 $0x618, s4  }
0xc2: {  	[tilespmem:s12], [sflag:$0x4] =	stream.indirect.gather [hbm4b:s3+s8], $0x20, s4, s8, $0xb8;
	[tilespmem:$0xFC00] =	vst v63  }
0xc3: {  	_ =	swait.ge [sflag:s14], $0xC80  }
0xc4: {  	[sflag:s14] =	ssyncset.done $0x0  }
0xc5: {  	[sflag:s14] =	ssyncadd.s32 $0xFFFFF380  }
0xc6: {  	_ =	swait.ge [sflag:s14], $0xC80  }
0xc7: {  	[sflag:s14] =	ssyncset.done $0x0  }
0xc8: {  	[sflag:s14] =	ssyncadd.s32 $0xFFFFF380  }
0xc9: {  	_ =	swait.ge [sflag:s14], $0xC80  }
0xca: {  	[sflag:s14] =	ssyncset.done $0x0  }
0xcb: {  	[sflag:s14] =	ssyncadd.s32 $0xFFFFF380  }
0xcc: {  	_ =	swait.ge [sflag:s14], $0xC80  }
0xcd: {  	[sflag:s14] =	ssyncset.done $0x0  }
0xce: {  	s5 =	simm.s32 $0x6600;
	s4 =	sadd.s32 $0x1A00, s7;
	[sflag:s14] =	ssyncadd.s32 $0xFFFFF380  }
0xcf: {  	[hbm4b:s4+s30] =	stream.strided.scatter [tilespmem:s5], [sflag:$0x6], $0xC80, s31, s30, $0x38;
	[tilespmem:$0xFC00] =	vst v63  }
0xd0: {  	s4 =	sadd.s32 $0x2080, s7;
	s5 =	simm.s32 $0x7280  }
0xd1: {  	[hbm4b:s4+s30] =	stream.strided.scatter [tilespmem:s5], [sflag:$0x6], $0xC80, s31, s30, $0x38;
	[tilespmem:$0xFC00] =	vst v63  }
0xd2: {  	s4 =	sadd.s32 $0x2700, s7;
	s5 =	simm.s32 $0x7F00  }
0xd3: {  	[hbm4b:s4+s30] =	stream.strided.scatter [tilespmem:s5], [sflag:$0x6], $0xC80, s31, s30, $0x38;
	[tilespmem:$0xFC00] =	vst v63  }
0xd4: {  	p2 =	seq.s32 s20, $0xB600;
	s4 =	sadd.s32 $0x2D80, s7;
	s5 =	simm.s32 $0x8B80  }
0xd5: {  	[hbm4b:s4+s30] =	stream.strided.scatter [tilespmem:s5], [sflag:$0x6], $0xC80, s31, s30, $0x38;
	[tilespmem:$0xFC00] =	vst v63  }
0xd6: {  	s4 =	simm.s32 @!p2 $0x5;
	s5 =	sshra.s32 @!p2 s20, $0x2;
	s20 =	smov.u32 s2  }
0xd7: {  	s6 =	sadd.s32 @!p2 $0x680, s5;
	s9 =	sadd.s32 @!p2 $0x6E8, s5;
	_ =	swait.ge @!p2 [sflag:s4], $0x3200  }
0xd8: {  	s11 =	simm.s32 @!p2 $0x3400;
	s2 =	simm.s32 @!p2 $0x64;
	[sflag:s4] =	ssyncset.done @!p2 $0x0  }
0xd9: {  	s13 =	sadd.s32 @!p2 $0x750, s5;
	[sflag:s4] =	ssyncadd.s32 @!p2 $0xFFFFCE00;
	s4 =	simm.s32 @!p2 $0x4080  }
0xda: {  	[tilespmem:s11], [sflag:$0x1] =	stream.indirect.gather @!p2 [hbm4b:s3+s2], $0x20, s6, s2, $0xb8;
	[tilespmem:$0xFC00] =	vst v63  }
0xdb: {  	s15 =	sadd.s32 @!p2 $0x820, s5;
	s6 =	simm.s32 @!p2 $0x4D00;
	s11 =	sadd.s32 @!p2 $0x7B8, s5  }
0xdc: {  	[tilespmem:s4], [sflag:$0x1] =	stream.indirect.gather @!p2 [hbm4b:s3+s2], $0x20, s9, s2, $0xb8;
	[tilespmem:$0xFC00] =	vst v63  }
0xdd: {  	s17 =	sadd.s32 @!p2 $0x888, s5;
	s9 =	simm.s32 @!p2 $0x5980;
	s4 =	sadd.s32 @!p2 $0x8F0, s5  }
0xde: {  	[tilespmem:s6], [sflag:$0x1] =	stream.indirect.gather @!p2 [hbm4b:s3+s2], $0x20, s13, s2, $0xb8;
	[tilespmem:$0xFC00] =	vst v63  }
0xdf: {  	s5 =	sadd.s32 @!p2 $0x958, s5  }
0xe0: {  	[tilespmem:s9], [sflag:$0x1] =	stream.indirect.gather @!p2 [hbm4b:s3+s2], $0x20, s11, s2, $0xb8;
	[tilespmem:$0xFC00] =	vst v63  }
0xe1: {  	_ =	swait.ge [sflag:s16], $0xC80  }
0xe2: {  	[sflag:s16] =	ssyncset.done $0x0  }
0xe3: {  	[sflag:s16] =	ssyncadd.s32 $0xFFFFF380  }
0xe4: {  	_ =	swait.ge [sflag:s16], $0xC80  }
0xe5: {  	[sflag:s16] =	ssyncset.done $0x0  }
0xe6: {  	[sflag:s16] =	ssyncadd.s32 $0xFFFFF380  }
0xe7: {  	_ =	swait.ge [sflag:s16], $0xC80  }
0xe8: {  	[sflag:s16] =	ssyncset.done $0x0  }
0xe9: {  	[sflag:s16] =	ssyncadd.s32 $0xFFFFF380  }
0xea: {  	_ =	swait.ge [sflag:s16], $0xC80  }
0xeb: {  	s6 =	sadd.s32 $0x3400, s7;
	[sflag:s16] =	ssyncset.done $0x0  }
0xec: {  	s9 =	sadd.s32 $0x3A80, s7;
	[sflag:s16] =	ssyncadd.s32 $0xFFFFF380  }
0xed: {  	[hbm4b:s6+s30] =	stream.strided.scatter [tilespmem:s24], [sflag:$0x7], $0xC80, s31, s30, $0x38;
	[tilespmem:$0xFC00] =	vst v63  }
0xee: {  	s6 =	sadd.s32 $0x4100, s7  }
0xef: {  	[hbm4b:s9+s30] =	stream.strided.scatter [tilespmem:s25], [sflag:$0x7], $0xC80, s31, s30, $0x38;
	[tilespmem:$0xFC00] =	vst v63  }
0xf0: {  	s9 =	sadd.s32 $0x4780, s7  }
0xf1: {  	[hbm4b:s6+s30] =	stream.strided.scatter [tilespmem:s26], [sflag:$0x7], $0xC80, s31, s30, $0x38;
	[tilespmem:$0xFC00] =	vst v63  }
0xf2: {  	s6 =	simm.s32 @!p2 $0x6  }
0xf3: {  	[hbm4b:s9+s30] =	stream.strided.scatter [tilespmem:s28], [sflag:$0x7], $0xC80, s31, s30, $0x38;
	[tilespmem:$0xFC00] =	vst v63  }
0xf4: {  	_ =	swait.ge @!p2 [sflag:s6], $0x3200  }
0xf5: {  	s9 =	simm.s32 @!p2 $0x6600;
	[sflag:s6] =	ssyncset.done @!p2 $0x0  }
0xf6: {  	[sflag:s6] =	ssyncadd.s32 @!p2 $0xFFFFCE00;
	s6 =	simm.s32 @!p2 $0x7280  }
0xf7: {  	[tilespmem:s9], [sflag:$0x2] =	stream.indirect.gather @!p2 [hbm4b:s3+s2], $0x20, s15, s2, $0xb8;
	[tilespmem:$0xFC00] =	vst v63  }
0xf8: {  	s9 =	simm.s32 @!p2 $0x7F00  }
0xf9: {  	[tilespmem:s6], [sflag:$0x2] =	stream.indirect.gather @!p2 [hbm4b:s3+s2], $0x20, s17, s2, $0xb8;
	[tilespmem:$0xFC00] =	vst v63  }
0xfa: {  	s6 =	simm.s32 @!p2 $0x8B80  }
0xfb: {  	[tilespmem:s9], [sflag:$0x2] =	stream.indirect.gather @!p2 [hbm4b:s3+s2], $0x20, s4, s2, $0xb8;
	[tilespmem:$0xFC00] =	vst v63  }
0xfc: {  	_ = 	snop  }
0xfd: {  	[tilespmem:s6], [sflag:$0x2] =	stream.indirect.gather @!p2 [hbm4b:s3+s2], $0x20, s5, s2, $0xb8;
	[tilespmem:$0xFC00] =	vst v63  }
0xfe: {  	_ =	swait.ge [sflag:s18], $0xC80  }
0xff: {  	[sflag:s18] =	ssyncset.done $0x0  }
0x100: {  	[sflag:s18] =	ssyncadd.s32 $0xFFFFF380  }
0x101: {  	_ =	swait.ge [sflag:s18], $0xC80  }
0x102: {  	[sflag:s18] =	ssyncset.done $0x0  }
0x103: {  	[sflag:s18] =	ssyncadd.s32 $0xFFFFF380  }
0x104: {  	_ =	swait.ge [sflag:s18], $0xC80  }
0x105: {  	[sflag:s18] =	ssyncset.done $0x0  }
0x106: {  	[sflag:s18] =	ssyncadd.s32 $0xFFFFF380  }
0x107: {  	_ =	swait.ge [sflag:s18], $0xC80  }
0x108: {  	s2 =	sadd.s32 $0x4E00, s7;
	[sflag:s18] =	ssyncset.done $0x0  }
0x109: {  	s4 =	sadd.s32 $0x5480, s7;
	[sflag:s18] =	ssyncadd.s32 $0xFFFFF380  }
0x10a: {  	[hbm4b:s2+s30] =	stream.strided.scatter [tilespmem:s1], [sflag:$0x8], $0xC80, s31, s30, $0x38;
	[tilespmem:$0xFC00] =	vst v63  }
.Ltmp0:
0x10b: {  	_ = 	snop;
	(pc) =	sbr.rel @p1 .LBB2_2-.Ltmp0, $4  }
0x10c: {  	s2 =	sadd.s32 $0x5B00, s7  }
0x10d: {  	[hbm4b:s4+s30] =	stream.strided.scatter [tilespmem:s0], [sflag:$0x8], $0xC80, s31, s30, $0x38;
	[tilespmem:$0xFC00] =	vst v63  }
0x10e: {  	s4 =	sadd.s32 $0x6180, s7;
	s7 =	sadd.s32 $0x6800, s7  }
0x10f: {  	[hbm4b:s2+s30] =	stream.strided.scatter [tilespmem:s10], [sflag:$0x8], $0xC80, s31, s30, $0x38;
	[tilespmem:$0xFC00] =	vst v63  }
0x110: {  	s2 =	simm.s32 @!p0 $0x7  }
0x111: {  	[hbm4b:s4+s30] =	stream.strided.scatter [tilespmem:s12], [sflag:$0x8], $0xC80, s31, s30, $0x38;
	[tilespmem:$0xFC00] =	vst v63  }
0x112: {  	_ =	swait.ge @!p0 [sflag:s2], $0x3200  }
0x113: {  	s4 =	sshra.s32 s20, $0x2;
	[sflag:s2] =	ssyncset.done @!p0 $0x0  }
0x114: {  	s6 =	sadd.s32 $0x340, s4;
	[sflag:s2] =	ssyncadd.s32 @!p0 $0xFFFFCE00  }
0x115: {  	[tilespmem:s24], [sflag:$0x3] =	stream.indirect.gather [hbm4b:s3+s8], $0x20, s6, s8, $0xb8;
	[tilespmem:$0xFC00] =	vst v63  }
0x116: {  	s9 =	sadd.s32 $0x3A8, s4  }
0x117: {  	[tilespmem:s25], [sflag:$0x3] =	stream.indirect.gather [hbm4b:s3+s8], $0x20, s9, s8, $0xb8;
	[tilespmem:$0xFC00] =	vst v63  }
0x118: {  	s11 =	sadd.s32 $0x410, s4  }
0x119: {  	[tilespmem:s26], [sflag:$0x3] =	stream.indirect.gather [hbm4b:s3+s8], $0x20, s11, s8, $0xb8;
	[tilespmem:$0xFC00] =	vst v63  }
0x11a: {  	s13 =	sadd.s32 $0x478, s4  }
0x11b: {  	[tilespmem:s28], [sflag:$0x3] =	stream.indirect.gather [hbm4b:s3+s8], $0x20, s13, s8, $0xb8;
	[tilespmem:$0xFC00] =	vst v63  }
0x11c: {  	_ =	swait.ge [sflag:s29], $0xC80  }
0x11d: {  	[sflag:s29] =	ssyncset.done $0x0  }
0x11e: {  	[sflag:s29] =	ssyncadd.s32 $0xFFFFF380  }
0x11f: {  	_ =	swait.ge [sflag:s29], $0xC80  }
0x120: {  	[sflag:s29] =	ssyncset.done $0x0  }
0x121: {  	[sflag:s29] =	ssyncadd.s32 $0xFFFFF380  }
0x122: {  	_ =	swait.ge [sflag:s29], $0xC80  }
0x123: {  	[sflag:s29] =	ssyncset.done $0x0  }
0x124: {  	[sflag:s29] =	ssyncadd.s32 $0xFFFFF380  }
0x125: {  	_ =	swait.ge [sflag:s29], $0xC80  }
0x126: {  	[sflag:s29] =	ssyncset.done $0x0  }
0x127: {  	[sflag:s29] =	ssyncadd.s32 $0xFFFFF380  }
0x128: {  	[hbm4b:s7+s30] =	stream.strided.scatter [tilespmem:s19], [sflag:$0x5], $0xC80, s31, s30, $0x38;
	[tilespmem:$0xFC00] =	vst v63  }
0x129: {  	s15 =	sadd.s32 $0x680, s7  }
0x12a: {  	[hbm4b:s15+s30] =	stream.strided.scatter [tilespmem:s21], [sflag:$0x5], $0xC80, s31, s30, $0x38;
	[tilespmem:$0xFC00] =	vst v63  }
0x12b: {  	s17 =	sadd.s32 $0xD00, s7  }
0x12c: {  	[hbm4b:s17+s30] =	stream.strided.scatter [tilespmem:s23], [sflag:$0x5], $0xC80, s31, s30, $0x38;
	[tilespmem:$0xFC00] =	vst v63  }
0x12d: {  	s22 =	sadd.s32 $0x1380, s7;
	s5 =	simm.s32 @!p0 $0x8;
	s6 =	simm.s32 $0x5980  }
0x12e: {  	[hbm4b:s22+s30] =	stream.strided.scatter [tilespmem:s6], [sflag:$0x5], $0xC80, s31, s30, $0x38;
	[tilespmem:$0xFC00] =	vst v63  }
0x12f: {  	_ =	swait.ge @!p0 [sflag:s5], $0x3200  }
0x130: {  	[sflag:s5] =	ssyncset.done @!p0 $0x0  }
0x131: {  	s9 =	sadd.s32 $0x4E0, s4;
	[sflag:s5] =	ssyncadd.s32 @!p0 $0xFFFFCE00  }
0x132: {  	[tilespmem:s1], [sflag:$0x4] =	stream.indirect.gather [hbm4b:s3+s8], $0x20, s9, s8, $0xb8;
	[tilespmem:$0xFC00] =	vst v63  }
0x133: {  	s11 =	sadd.s32 $0x548, s4  }
0x134: {  	[tilespmem:s0], [sflag:$0x4] =	stream.indirect.gather [hbm4b:s3+s8], $0x20, s11, s8, $0xb8;
	[tilespmem:$0xFC00] =	vst v63  }
0x135: {  	s13 =	sadd.s32 $0x5B0, s4  }
0x136: {  	[tilespmem:s10], [sflag:$0x4] =	stream.indirect.gather [hbm4b:s3+s8], $0x20, s13, s8, $0xb8;
	[tilespmem:$0xFC00] =	vst v63  }
0x137: {  	s15 =	sadd.s32 $0x618, s4  }
0x138: {  	[tilespmem:s12], [sflag:$0x4] =	stream.indirect.gather [hbm4b:s3+s8], $0x20, s15, s8, $0xb8;
	[tilespmem:$0xFC00] =	vst v63  }
0x139: {  	_ =	swait.ge [sflag:s14], $0xC80  }
0x13a: {  	[sflag:s14] =	ssyncset.done $0x0  }
0x13b: {  	[sflag:s14] =	ssyncadd.s32 $0xFFFFF380  }
0x13c: {  	_ =	swait.ge [sflag:s14], $0xC80  }
0x13d: {  	[sflag:s14] =	ssyncset.done $0x0  }
0x13e: {  	[sflag:s14] =	ssyncadd.s32 $0xFFFFF380  }
0x13f: {  	_ =	swait.ge [sflag:s14], $0xC80  }
0x140: {  	[sflag:s14] =	ssyncset.done $0x0  }
0x141: {  	[sflag:s14] =	ssyncadd.s32 $0xFFFFF380  }
0x142: {  	_ =	swait.ge [sflag:s14], $0xC80  }
0x143: {  	[sflag:s14] =	ssyncset.done $0x0  }
0x144: {  	s17 =	sadd.s32 $0x1A00, s7;
	s22 =	simm.s32 $0x6600;
	[sflag:s14] =	ssyncadd.s32 $0xFFFFF380  }
0x145: {  	[hbm4b:s17+s30] =	stream.strided.scatter [tilespmem:s22], [sflag:$0x6], $0xC80, s31, s30, $0x38;
	[tilespmem:$0xFC00] =	vst v63  }
0x146: {  	s4 =	sadd.s32 $0x2080, s7;
	s5 =	simm.s32 $0x7280  }
0x147: {  	[hbm4b:s4+s30] =	stream.strided.scatter [tilespmem:s5], [sflag:$0x6], $0xC80, s31, s30, $0x38;
	[tilespmem:$0xFC00] =	vst v63  }
0x148: {  	s6 =	sadd.s32 $0x2700, s7;
	p0 =	seq.s32 s20, $0xB600;
	s9 =	simm.s32 $0x7F00  }
0x149: {  	[hbm4b:s6+s30] =	stream.strided.scatter [tilespmem:s9], [sflag:$0x6], $0xC80, s31, s30, $0x38;
	[tilespmem:$0xFC00] =	vst v63  }
0x14a: {  	s2 =	simm.s32 @!p0 $0x5;
	s11 =	sadd.s32 $0x2D80, s7;
	s13 =	simm.s32 $0x8B80  }
0x14b: {  	[hbm4b:s11+s30] =	stream.strided.scatter [tilespmem:s13], [sflag:$0x6], $0xC80, s31, s30, $0x38;
	[tilespmem:$0xFC00] =	vst v63  }
0x14c: {  	s4 =	sshra.s32 @!p0 s20, $0x2;
	_ =	swait.ge @!p0 [sflag:s2], $0x3200  }
0x14d: {  	s5 =	sadd.s32 @!p0 $0x680, s4;
	[sflag:s2] =	ssyncset.done @!p0 $0x0  }
0x14e: {  	s6 =	simm.s32 @!p0 $0x64;
	[sflag:s2] =	ssyncadd.s32 @!p0 $0xFFFFCE00;
	s2 =	simm.s32 @!p0 $0x3400  }
0x14f: {  	[tilespmem:s2], [sflag:$0x1] =	stream.indirect.gather @!p0 [hbm4b:s3+s6], $0x20, s5, s6, $0xb8;
	[tilespmem:$0xFC00] =	vst v63  }
0x150: {  	s2 =	sadd.s32 @!p0 $0x6E8, s4;
	s5 =	simm.s32 @!p0 $0x4080  }
0x151: {  	[tilespmem:s5], [sflag:$0x1] =	stream.indirect.gather @!p0 [hbm4b:s3+s6], $0x20, s2, s6, $0xb8;
	[tilespmem:$0xFC00] =	vst v63  }
0x152: {  	s2 =	sadd.s32 @!p0 $0x750, s4;
	s5 =	simm.s32 @!p0 $0x4D00  }
0x153: {  	[tilespmem:s5], [sflag:$0x1] =	stream.indirect.gather @!p0 [hbm4b:s3+s6], $0x20, s2, s6, $0xb8;
	[tilespmem:$0xFC00] =	vst v63  }
0x154: {  	s2 =	sadd.s32 @!p0 $0x7B8, s4;
	s5 =	simm.s32 @!p0 $0x5980  }
0x155: {  	[tilespmem:s5], [sflag:$0x1] =	stream.indirect.gather @!p0 [hbm4b:s3+s6], $0x20, s2, s6, $0xb8;
	[tilespmem:$0xFC00] =	vst v63  }
0x156: {  	_ =	swait.ge [sflag:s16], $0xC80  }
0x157: {  	[sflag:s16] =	ssyncset.done $0x0  }
0x158: {  	[sflag:s16] =	ssyncadd.s32 $0xFFFFF380  }
0x159: {  	_ =	swait.ge [sflag:s16], $0xC80  }
0x15a: {  	[sflag:s16] =	ssyncset.done $0x0  }
0x15b: {  	[sflag:s16] =	ssyncadd.s32 $0xFFFFF380  }
0x15c: {  	_ =	swait.ge [sflag:s16], $0xC80  }
0x15d: {  	[sflag:s16] =	ssyncset.done $0x0  }
0x15e: {  	[sflag:s16] =	ssyncadd.s32 $0xFFFFF380  }
0x15f: {  	_ =	swait.ge [sflag:s16], $0xC80  }
0x160: {  	[sflag:s16] =	ssyncset.done $0x0  }
0x161: {  	s15 =	sadd.s32 $0x3400, s7;
	[sflag:s16] =	ssyncadd.s32 $0xFFFFF380  }
0x162: {  	[hbm4b:s15+s30] =	stream.strided.scatter [tilespmem:s24], [sflag:$0x7], $0xC80, s31, s30, $0x38;
	[tilespmem:$0xFC00] =	vst v63  }
0x163: {  	s17 =	sadd.s32 $0x3A80, s7  }
0x164: {  	[hbm4b:s17+s30] =	stream.strided.scatter [tilespmem:s25], [sflag:$0x7], $0xC80, s31, s30, $0x38;
	[tilespmem:$0xFC00] =	vst v63  }
0x165: {  	s20 =	sadd.s32 $0x4100, s7  }
0x166: {  	[hbm4b:s20+s30] =	stream.strided.scatter [tilespmem:s26], [sflag:$0x7], $0xC80, s31, s30, $0x38;
	[tilespmem:$0xFC00] =	vst v63  }
0x167: {  	s22 =	sadd.s32 $0x4780, s7;
	s5 =	simm.s32 @!p0 $0x6  }
0x168: {  	[hbm4b:s22+s30] =	stream.strided.scatter [tilespmem:s28], [sflag:$0x7], $0xC80, s31, s30, $0x38;
	[tilespmem:$0xFC00] =	vst v63  }
0x169: {  	_ =	swait.ge @!p0 [sflag:s5], $0x3200  }
0x16a: {  	[sflag:s5] =	ssyncset.done @!p0 $0x0  }
0x16b: {  	s2 =	sadd.s32 @!p0 $0x820, s4;
	[sflag:s5] =	ssyncadd.s32 @!p0 $0xFFFFCE00;
	s5 =	simm.s32 @!p0 $0x6600  }
0x16c: {  	[tilespmem:s5], [sflag:$0x2] =	stream.indirect.gather @!p0 [hbm4b:s3+s6], $0x20, s2, s6, $0xb8;
	[tilespmem:$0xFC00] =	vst v63  }
0x16d: {  	s2 =	sadd.s32 @!p0 $0x888, s4;
	s5 =	simm.s32 @!p0 $0x7280  }
0x16e: {  	[tilespmem:s5], [sflag:$0x2] =	stream.indirect.gather @!p0 [hbm4b:s3+s6], $0x20, s2, s6, $0xb8;
	[tilespmem:$0xFC00] =	vst v63  }
0x16f: {  	s2 =	sadd.s32 @!p0 $0x8F0, s4;
	s5 =	simm.s32 @!p0 $0x7F00  }
0x170: {  	[tilespmem:s5], [sflag:$0x2] =	stream.indirect.gather @!p0 [hbm4b:s3+s6], $0x20, s2, s6, $0xb8;
	[tilespmem:$0xFC00] =	vst v63  }
0x171: {  	s2 =	sadd.s32 @!p0 $0x958, s4;
	s4 =	simm.s32 @!p0 $0x8B80  }
0x172: {  	[tilespmem:s4], [sflag:$0x2] =	stream.indirect.gather @!p0 [hbm4b:s3+s6], $0x20, s2, s6, $0xb8;
	[tilespmem:$0xFC00] =	vst v63  }
0x173: {  	_ =	swait.ge [sflag:s18], $0xC80  }
0x174: {  	[sflag:s18] =	ssyncset.done $0x0  }
0x175: {  	[sflag:s18] =	ssyncadd.s32 $0xFFFFF380  }
0x176: {  	_ =	swait.ge [sflag:s18], $0xC80  }
0x177: {  	[sflag:s18] =	ssyncset.done $0x0  }
0x178: {  	[sflag:s18] =	ssyncadd.s32 $0xFFFFF380  }
0x179: {  	_ =	swait.ge [sflag:s18], $0xC80  }
0x17a: {  	[sflag:s18] =	ssyncset.done $0x0  }
0x17b: {  	[sflag:s18] =	ssyncadd.s32 $0xFFFFF380  }
0x17c: {  	_ =	swait.ge [sflag:s18], $0xC80  }
0x17d: {  	[sflag:s18] =	ssyncset.done $0x0  }
0x17e: {  	s4 =	sadd.s32 $0x4E00, s7;
	[sflag:s18] =	ssyncadd.s32 $0xFFFFF380  }
0x17f: {  	[hbm4b:s4+s30] =	stream.strided.scatter [tilespmem:s1], [sflag:$0x8], $0xC80, s31, s30, $0x38;
	[tilespmem:$0xFC00] =	vst v63  }
0x180: {  	s5 =	sadd.s32 $0x5480, s7  }
0x181: {  	[hbm4b:s5+s30] =	stream.strided.scatter [tilespmem:s0], [sflag:$0x8], $0xC80, s31, s30, $0x38;
	[tilespmem:$0xFC00] =	vst v63  }
0x182: {  	s6 =	sadd.s32 $0x5B00, s7  }
0x183: {  	[hbm4b:s6+s30] =	stream.strided.scatter [tilespmem:s10], [sflag:$0x8], $0xC80, s31, s30, $0x38;
	[tilespmem:$0xFC00] =	vst v63  }
0x184: {  	s9 =	sadd.s32 $0x6180, s7;
	s11 =	simm.s32 $0x5  }
0x185: {  	[hbm4b:s9+s30] =	stream.strided.scatter [tilespmem:s12], [sflag:$0x8], $0xC80, s31, s30, $0x38;
	[tilespmem:$0xFC00] =	vst v63  }
0x186: {  	_ =	swait.ge [sflag:s11], $0x3200  }
0x187: {  	[sflag:s11] =	ssyncset.done $0x0  }
0x188: {  	s13 =	simm.s32 $0x6;
	[sflag:s11] =	ssyncadd.s32 $0xFFFFCE00  }
0x189: {  	_ =	swait.ge [sflag:s13], $0x3200  }
0x18a: {  	[sflag:s13] =	ssyncset.done $0x0  }
0x18b: {  	s15 =	simm.s32 $0x7;
	[sflag:s13] =	ssyncadd.s32 $0xFFFFCE00  }
0x18c: {  	_ =	swait.ge [sflag:s15], $0x3200  }
0x18d: {  	[sflag:s15] =	ssyncset.done $0x0  }
0x18e: {  	s17 =	simm.s32 $0x8;
	[sflag:s15] =	ssyncadd.s32 $0xFFFFCE00  }
0x18f: {  	_ =	swait.ge [sflag:s17], $0x3200  }
0x190: {  	s20 =	rddreg [dreg:$0x6]  }
0x191: {  	s22 =	rddreg [dreg:$0x4];
	s5 =	sadd.s32 $0x1, s20  }
0x192: {  	p0 =	sne.s32 s5, s22  }
.Ltmp1:
0x193: {  	_ = 	snop;
	(pc) =	sbr.rel @p0 .LBB2_1-.Ltmp1, $3  }
0x194: {  	_ =	sdelay $0x1  }
0x195: {  	[sflag:s17] =	ssyncset.done $0x0  }
0x196: {  	[sflag:s17] =	ssyncadd.s32 $0xFFFFCE00  }
0x197: {  	_ =	sfence.sel $0x180000  }
0x198: {  	[bflag:$0x0] =	sbarrier.arrive $0xFFFF  }
0x199: {  	_ =	strace $0x90000047  }
0x19a: {  	s0 =	stileid.u32;
	[bflag:$0x2] =	sbarrier.arrive $0xFFFF  }
0x19b: {  	p0 =	sne.s32 s0, $0x0;
	s0 =	rddreg [dreg:$0x2]  }
0x19c: {  	s0 =	sadd.s32 @!p0 $0x100000, s0  }
0x19d: {  	[sflag:s0] =	ssyncadd.tile.s32 @!p0 $0x1;
	_ =	shalt  }
.Lfunc_end2:
_tile_overlayer_lowered:
.L_overlay_start_2:
0x19e: {  	(tag) =	ssettag $0x2  }
0x19f: {  	s0 =	rddreg [dreg:$0x0];
	s2 =	stileid.u32  }
0x1a0: {  	s1 =	rddreg [dreg:$0x1];
	p0 =	sne.s32 s2, $0x0  }
0x1a1: {  	s3 =	rddreg [dreg:$0x2];
	[bflag:$0x3] =	sbarrier.arrive $0xFFFF;
	s2 =	simm.s32 @!p0 $0x1C09  }
0x1a2: {  	[timem:s3], [sflag:s2] =	dma.local @!p0 [hbm:s0], s1  }
0x1a3: {  	s0 =	simm.s32 @!p0 $0x9  }
0x1a4: {  	_ =	swait.ge @!p0 [sflag:s0], s1  }
0x1a5: {  	s1 =	ssub.s32 @!p0 $0x0, s1;
	[sflag:s0] =	ssyncset.done @!p0 $0x0  }
0x1a6: {  	[sflag:s0] =	ssyncadd.s32 @!p0 s1  }
0x1a7: {  	[bflag:$0x3] =	sbarrier.arrive $0xFFFF  }
0x1a8: {  	_ =	shalt  }

</sc_bundles>
